<compile_context>
chip_gen: v7x
topology: tpu7x:2x2x1
jax: 0.10.2.dev20260603
libtpu: 0.0.44.dev20260713+nightly
codegen_flags: <defaults>
</compile_context>

<pallas_src>
import functools

import jax
import jax.numpy as jnp
from jax import lax
from jax.experimental import pallas as pl
from jax.experimental.pallas import tpu as pltpu
from jax.experimental.pallas import tpu_sc as plsc

HH = 384
WW = 384
CC = 32
TT = 216
NN = HH * WW
CP = 640
CO = 8
RB = 12
NB = HH // RB
MT = 512
NT = NN // MT
NW = 32
CHK = 128
GR = 6
N9 = NN * 9
C9W = N9 // NW // CHK
C1W = NN // NW // CHK
G9 = C9W // GR
G1 = C1W // GR


def _shift(v, s):
    if s == 0:
        return v
    return pltpu.roll(v, (-s) % v.shape[1], 1)


def _k1_copy(xq_hbm, xp_slab, sem, i, ph):
    return pltpu.make_async_copy(
        xq_hbm.at[:, pl.ds((i * RB + 1) * CP, (RB + 6) * CP)],
        xp_slab.at[ph], sem.at[ph])


def _k1_body(xq_hbm, w1_ref, w2_ref, aa_ref, bb_ref, out_ref, xp_slab, sem):
    i = pl.program_id(0)
    ph = lax.rem(i, 2)
    nph = lax.rem(i + 1, 2)

    @pl.when(i == 0)
    def _():
        _k1_copy(xq_hbm, xp_slab, sem, 0, 0).start()

    @pl.when(i + 1 < NB)
    def _():
        _k1_copy(xq_hbm, xp_slab, sem, i + 1, nph).start()

    _k1_copy(xq_hbm, xp_slab, sem, i, ph).wait()
    xp = xp_slab[ph].astype(jnp.bfloat16)
    a1 = aa_ref[0]
    a2 = aa_ref[1]

    l1 = (RB + 2) * CP
    y1 = jnp.zeros((CC, l1), jnp.float32)
    for b in range(3):
        xs = _shift(xp, b - 1)
        for a in range(3):
            y1 = y1 + jnp.dot(w1_ref[3 * a + b], xs[:, (a + 1) * CP:(a + 1) * CP + l1],
                              preferred_element_type=jnp.float32)
    y1 = y1 + bb_ref[0][:, None]
    y1 = jnp.where(y1 >= 0, y1, a1 * y1)
    idx1 = lax.broadcasted_iota(jnp.int32, (CC, l1), 1)
    col1 = idx1 % CP
    q = i * RB + 3 + idx1 // CP
    ok1 = (col1 >= CO) & (col1 < CO + WW) & (q >= 4) & (q <= 387)
    y1 = jnp.where(ok1, y1, 0.0)

    y1 = y1.astype(jnp.bfloat16)
    l2 = RB * CP
    out = jnp.zeros((l2, CC), jnp.float32)
    for b in range(3):
        ys = _shift(y1, b - 1)
        for a in range(3):
            out = out + lax.dot_general(
                ys[:, a * CP:a * CP + l2], w2_ref[3 * a + b],
                ((( 0,), (0,)), ((), ())), preferred_element_type=jnp.float32)
    out = out + bb_ref[1][None, :]
    out = jnp.where(out >= 0, out, a2 * out)
    col2 = lax.broadcasted_iota(jnp.int32, (l2, CC), 0) % CP
    ok2 = (col2 >= CO) & (col2 < CO + WW)
    out_ref[...] = jnp.where(ok2, out, 0.0)


def _k1(xq, w1m, w2m, aa, bb):
    return pl.pallas_call(
        _k1_body,
        grid=(NB,),
        in_specs=[
            pl.BlockSpec(memory_space=pl.ANY),
            pl.BlockSpec((9, CC, CC), lambda i: (0, 0, 0)),
            pl.BlockSpec((9, CC, CC), lambda i: (0, 0, 0)),
            pl.BlockSpec(memory_space=pltpu.SMEM),
            pl.BlockSpec((2, CC), lambda i: (0, 0)),
        ],
        out_specs=pl.BlockSpec((RB * CP, CC), lambda i: (i, 0)),
        out_shape=jax.ShapeDtypeStruct((HH * CP, CC), jnp.float32),
        scratch_shapes=[pltpu.VMEM((2, CC, (RB + 6) * CP), jnp.float32),
                        pltpu.SemaphoreType.DMA((2,))],
    )(xq, w1m, w2m, aa, bb)


def _k2(table, xhwc, idx9, sidx):
    mesh = plsc.VectorSubcoreMesh(core_axis_name="c", subcore_axis_name="s")

    @functools.partial(
        pl.kernel,
        out_type=[jax.ShapeDtypeStruct((N9, CC), jnp.float32),
                  jax.ShapeDtypeStruct((NN, CC), jnp.float32)],
        mesh=mesh,
        scratch_types=[pltpu.VMEM((C9W * CHK,), jnp.int32),
                       pltpu.VMEM((C1W * CHK,), jnp.int32),
                       pltpu.VMEM((GR * CHK, CC), jnp.float32),
                       pltpu.VMEM((GR * CHK, CC), jnp.float32),
                       pltpu.SemaphoreType.DMA,
                       pltpu.SemaphoreType.DMA],
        compiler_params=pltpu.CompilerParams(use_tc_tiling_on_sc=False),
    )
    def body(table_hbm, xhwc_hbm, idx9_hbm, sidx_hbm, p_out, xs_out,
             idx_v, sidx_v, rows_a, rows_b, sem_a, sem_b):
        wid = lax.axis_index("s") * 2 + lax.axis_index("c")
        pltpu.sync_copy(idx9_hbm.at[wid], idx_v)

        def gather(src_hbm, iv, dst_hbm, base, j, buf, sem, start_only):
            cp = pltpu.make_async_copy(
                src_hbm.at[iv.at[pl.ds(j * GR * CHK, GR * CHK)]], buf, sem)
            if start_only:
                cp.start()
            else:
                cp.wait()
                pltpu.sync_copy(
                    buf, dst_hbm.at[pl.ds((base + j * GR) * CHK, GR * CHK)])

        gather(table_hbm, idx_v, p_out, wid * C9W, 0, rows_a, sem_a, True)

        def g9(j2, carry):
            j = j2 * 2

            @pl.when(j + 1 < G9)
            def _():
                gather(table_hbm, idx_v, p_out, wid * C9W, j + 1,
                       rows_b, sem_b, True)

            gather(table_hbm, idx_v, p_out, wid * C9W, j, rows_a, sem_a, False)

            @pl.when(j + 2 < G9)
            def _():
                gather(table_hbm, idx_v, p_out, wid * C9W, j + 2,
                       rows_a, sem_a, True)

            @pl.when(j + 1 < G9)
            def _():
                gather(table_hbm, idx_v, p_out, wid * C9W, j + 1,
                       rows_b, sem_b, False)

            return carry

        lax.fori_loop(0, (G9 + 1) // 2, g9, 0)
        pltpu.sync_copy(sidx_hbm.at[wid], sidx_v)

        def g1(j, carry):
            gather(xhwc_hbm, sidx_v, xs_out, wid * C1W, j, rows_a, sem_a, True)
            gather(xhwc_hbm, sidx_v, xs_out, wid * C1W, j, rows_a, sem_a, False)
            return carry

        lax.fori_loop(0, G1, g1, 0)

    return body(table, xhwc, idx9, sidx)


def _k3_body(s_ref, e_ref, b_ref, p_ref, xs_ref, wk_ref, bias_ref, out_ref):
    i = pl.program_id(0)
    s = s_ref[i]
    e = e_ref[i]
    p = p_ref[...].astype(jnp.bfloat16)
    xs = xs_ref[...]
    bt = b_ref[0]

    def body(t, acc):
        w = wk_ref[t]
        y = jnp.dot(p, w, preferred_element_type=jnp.float32)
        y = y + bias_ref[t] + xs
        return jnp.where(bt == t, y, acc)

    out_ref[...] = lax.fori_loop(s, e + 1, body, jnp.zeros((MT, CC), jnp.float32))


def _k3(p_mat, xs, bsor3, wk, bias, s_arr, e_arr):
    grid_spec = pltpu.PrefetchScalarGridSpec(
        num_scalar_prefetch=2,
        grid=(NT,),
        in_specs=[
            pl.BlockSpec((1, MT, 1), lambda i, s, e: (i, 0, 0)),
            pl.BlockSpec((MT, 9 * CC), lambda i, s, e: (i, 0)),
            pl.BlockSpec((MT, CC), lambda i, s, e: (i, 0)),
            pl.BlockSpec((TT, 9 * CC, CC), lambda i, s, e: (0, 0, 0)),
            pl.BlockSpec((TT, 1, CC), lambda i, s, e: (0, 0, 0)),
        ],
        out_specs=pl.BlockSpec((MT, CC), lambda i, s, e: (i, 0)),
    )
    return pl.pallas_call(
        _k3_body,
        grid_spec=grid_spec,
        out_shape=jax.ShapeDtypeStruct((NN, CC), jnp.float32),
    )(s_arr, e_arr, bsor3, p_mat, xs, wk, bias)


def _k4(osort, sidx):
    mesh = plsc.VectorSubcoreMesh(core_axis_name="c", subcore_axis_name="s")

    @functools.partial(
        pl.kernel,
        out_type=jax.ShapeDtypeStruct((NN, CC), jnp.float32),
        mesh=mesh,
        scratch_types=[pltpu.VMEM((C1W, CHK), jnp.int32),
                       pltpu.VMEM((CHK, CC), jnp.float32),
                       pltpu.SemaphoreType.DMA],
        compiler_params=pltpu.CompilerParams(use_tc_tiling_on_sc=False),
    )
    def body(osort_hbm, sidx_hbm, out_hbm, sidx_v, buf_v, sem):
        wid = lax.axis_index("s") * 2 + lax.axis_index("c")
        pltpu.sync_copy(sidx_hbm.at[wid], sidx_v)

        def sc(j, carry):
            pltpu.sync_copy(
                osort_hbm.at[pl.ds((wid * C1W + j) * CHK, CHK)], buf_v)
            pltpu.async_copy(buf_v, out_hbm.at[sidx_v.at[j]], sem).wait()
            return carry

        lax.fori_loop(0, C1W, sc, 0)

    return body(osort, sidx)


def kernel(x, buckets, W1, b1, a1, W2, b2, a2, emb):
    f32 = jnp.float32
    bflat = buckets.reshape(NN).astype(jnp.int32)
    b_sorted, sort_idx = lax.sort_key_val(bflat, lax.iota(jnp.int32, NN))
    s_arr = b_sorted[0::MT]
    e_arr = b_sorted[MT - 1::MT]
    bsor3 = b_sorted.reshape(NT, MT, 1)

    h = sort_idx // WW
    w = sort_idx % WW
    offs = []
    for dy in (-1, 0, 1):
        rr = h + dy
        okr = (rr >= 0) & (rr < HH)
        for dx in (-1, 0, 1):
            offs.append(jnp.where(okr, rr * CP + (w + dx) + CO, 0))
    idx9 = jnp.stack(offs, axis=1).reshape(NW, C9W * CHK)
    sidx1 = sort_idx.reshape(NW, C1W * CHK)
    sidx3 = sort_idx.reshape(NW, C1W, CHK)

    w1m = W1.reshape(CC, CC, 9).transpose(2, 0, 1).astype(jnp.bfloat16)
    w2m = W2.reshape(CC, CC, 9).transpose(2, 1, 0).astype(jnp.bfloat16)
    aa = jnp.stack([a1[0], a2[0]])
    wk = emb[:, :CC * CC * 9].reshape(TT, CC, CC, 3, 3)
    wk = (0.1 * wk.transpose(0, 3, 4, 2, 1)).reshape(TT, 9 * CC, CC)
    wk = wk.astype(jnp.bfloat16)
    bias = (0.1 * emb[:, CC * CC * 9:]).reshape(TT, 1, CC)
    bb = jnp.stack([b1, b2])

    xq = jnp.pad(x[0], ((0, 0), (4, 4), (CO, CP - CO - WW)))
    xq = xq.reshape(CC, 392 * CP)
    table = _k1(xq, w1m, w2m, aa, bb)

    xhwc = x.reshape(CC, NN).T

    p_mat, xs = _k2(table, xhwc, idx9, sidx1)
    p_mat = p_mat.reshape(NN, 9 * CC)

    osort = _k3(p_mat, xs, bsor3, wk, bias, s_arr, e_arr)

    out_hwc = _k4(osort, sidx3)
    return out_hwc.T.reshape(1, CC, HH, WW)

# --- scband reference (transcript-rebuilt; emitter-appended) ---
"""Pipeline reference for scband-residual-block-bucket-73057393705082 (READ-ONLY COPY).

The authoritative reference and input builder live on the scoring server;
editing this copy changes nothing except your own understanding.
"""

import jax, jax.numpy as jnp
import numpy as np

NUM_TYPES = 216
K = 3
C = 32
RES_SCALE = 0.1

def prelu(x, a):
    return jnp.where(x >= 0, x, a * x)

def conv3x3(x, w, b):
    y = jax.lax.conv_general_dilated(x, w, (1, 1), 'SAME',
                                     dimension_numbers=('NCHW', 'OIHW', 'NCHW'))
    return y + b[None, :, None, None]

def bucket_conv(x, emb, buckets):
    # Per-pixel dynamic conv: each pixel gathers a full (oc, ic*k*k) filter + bias
    # from the embedding table according to its bucket id.
    B, Cc, H, W = x.shape
    oc = Cc
    patches = jax.lax.conv_general_dilated_patches(x, (K, K), (1, 1), 'SAME')  # [B, C*K*K, H, W]
    patches = patches.transpose(0, 2, 3, 1).reshape(B * H * W, Cc * K * K)
    flat_b = buckets.reshape(B * H * W)
    Wmat = emb[:, :oc * Cc * K * K].reshape(NUM_TYPES, oc, Cc * K * K)
    bias = emb[:, oc * Cc * K * K:].reshape(NUM_TYPES, oc)
    N = B * H * W
    chunk = W
    p2 = patches.reshape(N // chunk, chunk, Cc * K * K)
    b2 = flat_b.reshape(N // chunk, chunk)
    def chunk_fn(args):
        p, bb = args
        wsel = jnp.take(Wmat, bb, axis=0)   # gather filters [chunk, oc, C*K*K]
        bsel = jnp.take(bias, bb, axis=0)   # gather biases  [chunk, oc]
        return jnp.einsum('noj,nj->no', wsel, p) + bsel
    out = jax.lax.map(chunk_fn, (p2, b2))
    return out.reshape(B, H, W, oc).transpose(0, 3, 1, 2)

def forward(x, W1, b1, a1, W2, b2, a2, emb, buckets):
    out = conv3x3(x, W1, b1)      # body conv1
    out = prelu(out, a1)          # body PReLU
    out = conv3x3(out, W2, b2)    # body conv2
    out = prelu(out, a2)          # self.nonlinear
    out = bucket_conv(out, emb, buckets)  # BucketConvLayerCUDA (embedding gather + local conv)
    out = out * RES_SCALE + x
    return out

def setup_inputs(seed: int = 0):
    key = jax.random.key(seed)
    ks = jax.random.split(key, 8)
    B, H, W = 1, 384, 384
    x = jax.random.normal(ks[0], (B, C, H, W), dtype=jnp.float32)
    buckets = jax.random.randint(ks[1], (B, H, W), 0, NUM_TYPES, dtype=jnp.int32)
    W1 = jax.random.normal(ks[2], (C, C, K, K), dtype=jnp.float32) * 0.05
    b1 = jnp.zeros((C,), dtype=jnp.float32)
    a1 = jnp.full((1,), 0.25, dtype=jnp.float32)
    W2 = jax.random.normal(ks[3], (C, C, K, K), dtype=jnp.float32) * 0.05
    b2 = jnp.zeros((C,), dtype=jnp.float32)
    a2 = jnp.full((1,), 0.25, dtype=jnp.float32)
    emb = jax.random.normal(ks[4], (NUM_TYPES, C * (C * K * K + 1)), dtype=jnp.float32) * 0.1
    return {"x": x, "buckets": buckets, "W1": W1, "b1": b1, "a1": a1,
            "W2": W2, "b2": b2, "a2": a2, "emb": emb}

def reference(x, buckets, W1, b1, a1, W2, b2, a2, emb):
    return forward(x, W1, b1, a1, W2, b2, a2, emb, buckets)

if __name__ == "__main__":
    import jax
    _d = setup_inputs()
    print(jax.jit(kernel)(*tuple(_d.values())))

</pallas_src>

<mosaic_0001>
#map = affine_map<(d0, d1) -> (0, 0)>
module attributes {stable_mosaic.version = 14 : i64} {
  func.func @body(%arg0: i32, %arg1: i32, %arg2: memref<245760x32xf32, #tpu.memory_space<hbm>>, %arg3: memref<147456x32xf32, #tpu.memory_space<hbm>>, %arg4: memref<32x41472xi32, #tpu.memory_space<hbm>>, %arg5: memref<32x4608xi32, #tpu.memory_space<hbm>>, %arg6: memref<1327104x32xf32, #tpu.memory_space<hbm>>, %arg7: memref<147456x32xf32, #tpu.memory_space<hbm>>, %arg8: memref<41472xi32, #tpu.memory_space<vmem>>, %arg9: memref<4608xi32, #tpu.memory_space<vmem>>, %arg10: memref<768x32xf32, #tpu.memory_space<vmem>>, %arg11: memref<768x32xf32, #tpu.memory_space<vmem>>, %arg12: memref<!tpu.dma_semaphore, #tpu.memory_space<semaphore_mem>>, %arg13: memref<!tpu.dma_semaphore, #tpu.memory_space<semaphore_mem>>) attributes {dimension_semantics = [#tpu.dimension_semantics<core_parallel>, #tpu.dimension_semantics<subcore_parallel>], iteration_bounds = array<i64: 2, 16>, scalar_prefetch = 0 : i64, scratch_operands = 6 : i64, tpu.core_type = #tpu.core_type<sc_vector_subcore>, window_params = [{transform_indices = #map}, {transform_indices = #map}, {transform_indices = #map}, {transform_indices = #map}, {transform_indices = #map}, {transform_indices = #map}]} {
    %mul3A = arith.constant 2 : i32
    %mul3A_0 = arith.muli %arg1, %mul3A : i32
    %add3A = arith.addi %mul3A_0, %arg0 : i32
    "tpu.region"() ({
      %run_scoped3A = tpu.sem_alloc : memref<!tpu.dma_semaphore, #tpu.memory_space<semaphore_mem>>
      %dma_start3A_18 = arith.constant 0 : i32
      %dma_start3A_19 = tpu.memref_slice %arg4[%add3A, %dma_start3A_18] : memref<32x41472xi32, #tpu.memory_space<hbm>> -> memref<1x41472xi32, #tpu.memory_space<hbm>>
      %dma_start3A_20 = tpu.memref_squeeze %dma_start3A_19 : memref<1x41472xi32, #tpu.memory_space<hbm>> -> memref<41472xi32, #tpu.memory_space<hbm>>
      %dma_start3A_21 = arith.constant 0 : i32
      %dma_start3A_22 = tpu.memref_slice %arg4[%add3A, %dma_start3A_21] : memref<32x41472xi32, #tpu.memory_space<hbm>> -> memref<1x41472xi32, #tpu.memory_space<hbm>>
      %dma_start3A_23 = tpu.memref_squeeze %dma_start3A_22 : memref<1x41472xi32, #tpu.memory_space<hbm>> -> memref<41472xi32, #tpu.memory_space<hbm>>
      tpu.enqueue_dma source(%dma_start3A_23 : memref<41472xi32, #tpu.memory_space<hbm>>) target(%arg8 : memref<41472xi32, #tpu.memory_space<vmem>>) target_semaphore(%run_scoped3A : memref<!tpu.dma_semaphore, #tpu.memory_space<semaphore_mem>>)
      %dma_wait3A = arith.constant 0 : i32
      %dma_wait3A_24 = tpu.memref_slice %arg4[%add3A, %dma_wait3A] : memref<32x41472xi32, #tpu.memory_space<hbm>> -> memref<1x41472xi32, #tpu.memory_space<hbm>>
      %dma_wait3A_25 = tpu.memref_squeeze %dma_wait3A_24 : memref<1x41472xi32, #tpu.memory_space<hbm>> -> memref<41472xi32, #tpu.memory_space<hbm>>
      %dma_wait3A_26 = arith.constant 0 : i32
      %dma_wait3A_27 = tpu.memref_slice %arg4[%add3A, %dma_wait3A_26] : memref<32x41472xi32, #tpu.memory_space<hbm>> -> memref<1x41472xi32, #tpu.memory_space<hbm>>
      %dma_wait3A_28 = tpu.memref_squeeze %dma_wait3A_27 : memref<1x41472xi32, #tpu.memory_space<hbm>> -> memref<41472xi32, #tpu.memory_space<hbm>>
      tpu.wait_dma2 semaphore(%run_scoped3A : memref<!tpu.dma_semaphore, #tpu.memory_space<semaphore_mem>>) src(%dma_wait3A_28 : memref<41472xi32, #tpu.memory_space<hbm>>) dst(%arg8 : memref<41472xi32, #tpu.memory_space<vmem>>)
      tpu.yield
    }) : () -> ()
    %mul3A_1 = arith.constant 324 : i32
    %mul3A_2 = arith.muli %add3A, %mul3A_1 : i32
    %dma_start3A = arith.constant 0 : i32
    %dma_start3A_3 = tpu.memref_slice %arg8[%dma_start3A] : memref<41472xi32, #tpu.memory_space<vmem>> -> memref<768xi32, #tpu.memory_space<vmem>>
    %dma_start3A_4 = arith.constant 0 : i32
    %dma_start3A_5 = arith.constant 0 : i32
    %dma_start3A_6 = tpu.memref_slice %arg2[%dma_start3A_4, %dma_start3A_5] : memref<245760x32xf32, #tpu.memory_space<hbm>> -> memref<245760x32xf32, #tpu.memory_space<hbm>>
    tpu.enqueue_indirect_dma source(%dma_start3A_6 : memref<245760x32xf32, #tpu.memory_space<hbm>>) target(%arg10 : memref<768x32xf32, #tpu.memory_space<vmem>>) offsets(%dma_start3A_3 : memref<768xi32, #tpu.memory_space<vmem>>) semaphore(%arg12 : memref<!tpu.dma_semaphore, #tpu.memory_space<semaphore_mem>>)
    %scan3A = arith.constant 0 : i32
    %scan3A_7 = arith.constant 0 : i32
    %scan3A_8 = arith.constant 27 : i32
    %scan3A_9 = arith.addi %scan3A_7, %scan3A_8 : i32
    %scan3A_10 = arith.constant 1 : i32
    scf.for %scan3A_18 = %scan3A_7 to %scan3A_9 step %scan3A_10  : i32 {
      %mul3A_19 = arith.constant 2 : i32
      %mul3A_20 = arith.muli %scan3A_18, %mul3A_19 : i32
      %add3A_21 = arith.constant 1 : i32
      %add3A_22 = arith.addi %mul3A_20, %add3A_21 : i32
      %lt3A = arith.constant 54 : i32
      %lt3A_23 = arith.cmpi slt, %add3A_22, %lt3A : i32
      %convert_element_type3A = arith.extui %lt3A_23 : i1 to i32
      %cond3A = arith.constant 0 : i32
      %cond3A_24 = arith.cmpi ne, %convert_element_type3A, %cond3A : i32
      scf.if %cond3A_24 {
        %mul3A_53 = arith.constant 324 : i32
        %mul3A_54 = arith.muli %add3A, %mul3A_53 : i32
        %add3A_55 = arith.constant 1 : i32
        %add3A_56 = arith.addi %mul3A_20, %add3A_55 : i32
        %mul3A_57 = arith.constant 6 : i32
        %mul3A_58 = arith.muli %add3A_56, %mul3A_57 : i32
        %mul3A_59 = arith.constant 128 : i32
        %mul3A_60 = arith.muli %mul3A_58, %mul3A_59 : i32
        %dma_start3A_61 = tpu.memref_slice %arg8[%mul3A_60] : memref<41472xi32, #tpu.memory_space<vmem>> -> memref<768xi32, #tpu.memory_space<vmem>>
        %dma_start3A_62 = arith.constant 0 : i32
        %dma_start3A_63 = arith.constant 0 : i32
        %dma_start3A_64 = tpu.memref_slice %arg2[%dma_start3A_62, %dma_start3A_63] : memref<245760x32xf32, #tpu.memory_space<hbm>> -> memref<245760x32xf32, #tpu.memory_space<hbm>>
        tpu.enqueue_indirect_dma source(%dma_start3A_64 : memref<245760x32xf32, #tpu.memory_space<hbm>>) target(%arg11 : memref<768x32xf32, #tpu.memory_space<vmem>>) offsets(%dma_start3A_61 : memref<768xi32, #tpu.memory_space<vmem>>) semaphore(%arg13 : memref<!tpu.dma_semaphore, #tpu.memory_space<semaphore_mem>>)
      } else {
      }
      %mul3A_25 = arith.constant 324 : i32
      %mul3A_26 = arith.muli %add3A, %mul3A_25 : i32
      %mul3A_27 = arith.constant 6 : i32
      %mul3A_28 = arith.muli %mul3A_20, %mul3A_27 : i32
      %mul3A_29 = arith.constant 128 : i32
      %mul3A_30 = arith.muli %mul3A_28, %mul3A_29 : i32
      %dma_wait3A = tpu.memref_slice %arg8[%mul3A_30] : memref<41472xi32, #tpu.memory_space<vmem>> -> memref<768xi32, #tpu.memory_space<vmem>>
      %dma_wait3A_31 = arith.constant 0 : i32
      %dma_wait3A_32 = arith.constant 0 : i32
      %dma_wait3A_33 = tpu.memref_slice %arg2[%dma_wait3A_31, %dma_wait3A_32] : memref<245760x32xf32, #tpu.memory_space<hbm>> -> memref<245760x32xf32, #tpu.memory_space<hbm>>
      tpu.wait_indirect_dma semaphore(%arg12 : memref<!tpu.dma_semaphore, #tpu.memory_space<semaphore_mem>>) src(%dma_wait3A_33 : memref<245760x32xf32, #tpu.memory_space<hbm>>) dst(%arg10 : memref<768x32xf32, #tpu.memory_space<vmem>>)
      %mul3A_34 = arith.constant 6 : i32
      %mul3A_35 = arith.muli %mul3A_20, %mul3A_34 : i32
      %add3A_36 = arith.addi %mul3A_26, %mul3A_35 : i32
      %mul3A_37 = arith.constant 128 : i32
      %mul3A_38 = arith.muli %add3A_36, %mul3A_37 : i32
      "tpu.region"() ({
        %run_scoped3A = tpu.sem_alloc : memref<!tpu.dma_semaphore, #tpu.memory_space<semaphore_mem>>
        %dma_start3A_53 = arith.constant 0 : i32
        %dma_start3A_54 = tpu.memref_slice %arg6[%mul3A_38, %dma_start3A_53] : memref<1327104x32xf32, #tpu.memory_space<hbm>> -> memref<768x32xf32, #tpu.memory_space<hbm>>
        %dma_start3A_55 = arith.constant 0 : i32
        %dma_start3A_56 = tpu.memref_slice %arg6[%mul3A_38, %dma_start3A_55] : memref<1327104x32xf32, #tpu.memory_space<hbm>> -> memref<768x32xf32, #tpu.memory_space<hbm>>
        tpu.enqueue_dma source(%arg10 : memref<768x32xf32, #tpu.memory_space<vmem>>) target(%dma_start3A_56 : memref<768x32xf32, #tpu.memory_space<hbm>>) target_semaphore(%run_scoped3A : memref<!tpu.dma_semaphore, #tpu.memory_space<semaphore_mem>>)
        %dma_wait3A_57 = arith.constant 0 : i32
        %dma_wait3A_58 = tpu.memref_slice %arg6[%mul3A_38, %dma_wait3A_57] : memref<1327104x32xf32, #tpu.memory_space<hbm>> -> memref<768x32xf32, #tpu.memory_space<hbm>>
        %dma_wait3A_59 = arith.constant 0 : i32
        %dma_wait3A_60 = tpu.memref_slice %arg6[%mul3A_38, %dma_wait3A_59] : memref<1327104x32xf32, #tpu.memory_space<hbm>> -> memref<768x32xf32, #tpu.memory_space<hbm>>
        tpu.wait_dma2 semaphore(%run_scoped3A : memref<!tpu.dma_semaphore, #tpu.memory_space<semaphore_mem>>) src(%arg10 : memref<768x32xf32, #tpu.memory_space<vmem>>) dst(%dma_wait3A_60 : memref<768x32xf32, #tpu.memory_space<hbm>>)
        tpu.yield
      }) : () -> ()
      %add3A_39 = arith.constant 2 : i32
      %add3A_40 = arith.addi %mul3A_20, %add3A_39 : i32
      %lt3A_41 = arith.constant 54 : i32
      %lt3A_42 = arith.cmpi slt, %add3A_40, %lt3A_41 : i32
      %convert_element_type3A_43 = arith.extui %lt3A_42 : i1 to i32
      %cond3A_44 = arith.constant 0 : i32
      %cond3A_45 = arith.cmpi ne, %convert_element_type3A_43, %cond3A_44 : i32
      scf.if %cond3A_45 {
        %mul3A_53 = arith.constant 324 : i32
        %mul3A_54 = arith.muli %add3A, %mul3A_53 : i32
        %add3A_55 = arith.constant 2 : i32
        %add3A_56 = arith.addi %mul3A_20, %add3A_55 : i32
        %mul3A_57 = arith.constant 6 : i32
        %mul3A_58 = arith.muli %add3A_56, %mul3A_57 : i32
        %mul3A_59 = arith.constant 128 : i32
        %mul3A_60 = arith.muli %mul3A_58, %mul3A_59 : i32
        %dma_start3A_61 = tpu.memref_slice %arg8[%mul3A_60] : memref<41472xi32, #tpu.memory_space<vmem>> -> memref<768xi32, #tpu.memory_space<vmem>>
        %dma_start3A_62 = arith.constant 0 : i32
        %dma_start3A_63 = arith.constant 0 : i32
        %dma_start3A_64 = tpu.memref_slice %arg2[%dma_start3A_62, %dma_start3A_63] : memref<245760x32xf32, #tpu.memory_space<hbm>> -> memref<245760x32xf32, #tpu.memory_space<hbm>>
        tpu.enqueue_indirect_dma source(%dma_start3A_64 : memref<245760x32xf32, #tpu.memory_space<hbm>>) target(%arg10 : memref<768x32xf32, #tpu.memory_space<vmem>>) offsets(%dma_start3A_61 : memref<768xi32, #tpu.memory_space<vmem>>) semaphore(%arg12 : memref<!tpu.dma_semaphore, #tpu.memory_space<semaphore_mem>>)
      } else {
      }
      %add3A_46 = arith.constant 1 : i32
      %add3A_47 = arith.addi %mul3A_20, %add3A_46 : i32
      %lt3A_48 = arith.constant 54 : i32
      %lt3A_49 = arith.cmpi slt, %add3A_47, %lt3A_48 : i32
      %convert_element_type3A_50 = arith.extui %lt3A_49 : i1 to i32
      %cond3A_51 = arith.constant 0 : i32
      %cond3A_52 = arith.cmpi ne, %convert_element_type3A_50, %cond3A_51 : i32
      scf.if %cond3A_52 {
        %mul3A_53 = arith.constant 324 : i32
        %mul3A_54 = arith.muli %add3A, %mul3A_53 : i32
        %add3A_55 = arith.constant 1 : i32
        %add3A_56 = arith.addi %mul3A_20, %add3A_55 : i32
        %mul3A_57 = arith.constant 6 : i32
        %mul3A_58 = arith.muli %add3A_56, %mul3A_57 : i32
        %mul3A_59 = arith.constant 128 : i32
        %mul3A_60 = arith.muli %mul3A_58, %mul3A_59 : i32
        %dma_wait3A_61 = tpu.memref_slice %arg8[%mul3A_60] : memref<41472xi32, #tpu.memory_space<vmem>> -> memref<768xi32, #tpu.memory_space<vmem>>
        %dma_wait3A_62 = arith.constant 0 : i32
        %dma_wait3A_63 = arith.constant 0 : i32
        %dma_wait3A_64 = tpu.memref_slice %arg2[%dma_wait3A_62, %dma_wait3A_63] : memref<245760x32xf32, #tpu.memory_space<hbm>> -> memref<245760x32xf32, #tpu.memory_space<hbm>>
        tpu.wait_indirect_dma semaphore(%arg13 : memref<!tpu.dma_semaphore, #tpu.memory_space<semaphore_mem>>) src(%dma_wait3A_64 : memref<245760x32xf32, #tpu.memory_space<hbm>>) dst(%arg11 : memref<768x32xf32, #tpu.memory_space<vmem>>)
        %mul3A_65 = arith.constant 6 : i32
        %mul3A_66 = arith.muli %add3A_56, %mul3A_65 : i32
        %add3A_67 = arith.addi %mul3A_54, %mul3A_66 : i32
        %mul3A_68 = arith.constant 128 : i32
        %mul3A_69 = arith.muli %add3A_67, %mul3A_68 : i32
        "tpu.region"() ({
          %run_scoped3A = tpu.sem_alloc : memref<!tpu.dma_semaphore, #tpu.memory_space<semaphore_mem>>
          %dma_start3A_70 = arith.constant 0 : i32
          %dma_start3A_71 = tpu.memref_slice %arg6[%mul3A_69, %dma_start3A_70] : memref<1327104x32xf32, #tpu.memory_space<hbm>> -> memref<768x32xf32, #tpu.memory_space<hbm>>
          %dma_start3A_72 = arith.constant 0 : i32
          %dma_start3A_73 = tpu.memref_slice %arg6[%mul3A_69, %dma_start3A_72] : memref<1327104x32xf32, #tpu.memory_space<hbm>> -> memref<768x32xf32, #tpu.memory_space<hbm>>
          tpu.enqueue_dma source(%arg11 : memref<768x32xf32, #tpu.memory_space<vmem>>) target(%dma_start3A_73 : memref<768x32xf32, #tpu.memory_space<hbm>>) target_semaphore(%run_scoped3A : memref<!tpu.dma_semaphore, #tpu.memory_space<semaphore_mem>>)
          %dma_wait3A_74 = arith.constant 0 : i32
          %dma_wait3A_75 = tpu.memref_slice %arg6[%mul3A_69, %dma_wait3A_74] : memref<1327104x32xf32, #tpu.memory_space<hbm>> -> memref<768x32xf32, #tpu.memory_space<hbm>>
          %dma_wait3A_76 = arith.constant 0 : i32
          %dma_wait3A_77 = tpu.memref_slice %arg6[%mul3A_69, %dma_wait3A_76] : memref<1327104x32xf32, #tpu.memory_space<hbm>> -> memref<768x32xf32, #tpu.memory_space<hbm>>
          tpu.wait_dma2 semaphore(%run_scoped3A : memref<!tpu.dma_semaphore, #tpu.memory_space<semaphore_mem>>) src(%arg11 : memref<768x32xf32, #tpu.memory_space<vmem>>) dst(%dma_wait3A_77 : memref<768x32xf32, #tpu.memory_space<hbm>>)
          tpu.yield
        }) : () -> ()
      } else {
      }
    }
    %scan3A_11 = arith.constant 27 : i32
    "tpu.region"() ({
      %run_scoped3A = tpu.sem_alloc : memref<!tpu.dma_semaphore, #tpu.memory_space<semaphore_mem>>
      %dma_start3A_18 = arith.constant 0 : i32
      %dma_start3A_19 = tpu.memref_slice %arg5[%add3A, %dma_start3A_18] : memref<32x4608xi32, #tpu.memory_space<hbm>> -> memref<1x4608xi32, #tpu.memory_space<hbm>>
      %dma_start3A_20 = tpu.memref_squeeze %dma_start3A_19 : memref<1x4608xi32, #tpu.memory_space<hbm>> -> memref<4608xi32, #tpu.memory_space<hbm>>
      %dma_start3A_21 = arith.constant 0 : i32
      %dma_start3A_22 = tpu.memref_slice %arg5[%add3A, %dma_start3A_21] : memref<32x4608xi32, #tpu.memory_space<hbm>> -> memref<1x4608xi32, #tpu.memory_space<hbm>>
      %dma_start3A_23 = tpu.memref_squeeze %dma_start3A_22 : memref<1x4608xi32, #tpu.memory_space<hbm>> -> memref<4608xi32, #tpu.memory_space<hbm>>
      tpu.enqueue_dma source(%dma_start3A_23 : memref<4608xi32, #tpu.memory_space<hbm>>) target(%arg9 : memref<4608xi32, #tpu.memory_space<vmem>>) target_semaphore(%run_scoped3A : memref<!tpu.dma_semaphore, #tpu.memory_space<semaphore_mem>>)
      %dma_wait3A = arith.constant 0 : i32
      %dma_wait3A_24 = tpu.memref_slice %arg5[%add3A, %dma_wait3A] : memref<32x4608xi32, #tpu.memory_space<hbm>> -> memref<1x4608xi32, #tpu.memory_space<hbm>>
      %dma_wait3A_25 = tpu.memref_squeeze %dma_wait3A_24 : memref<1x4608xi32, #tpu.memory_space<hbm>> -> memref<4608xi32, #tpu.memory_space<hbm>>
      %dma_wait3A_26 = arith.constant 0 : i32
      %dma_wait3A_27 = tpu.memref_slice %arg5[%add3A, %dma_wait3A_26] : memref<32x4608xi32, #tpu.memory_space<hbm>> -> memref<1x4608xi32, #tpu.memory_space<hbm>>
      %dma_wait3A_28 = tpu.memref_squeeze %dma_wait3A_27 : memref<1x4608xi32, #tpu.memory_space<hbm>> -> memref<4608xi32, #tpu.memory_space<hbm>>
      tpu.wait_dma2 semaphore(%run_scoped3A : memref<!tpu.dma_semaphore, #tpu.memory_space<semaphore_mem>>) src(%dma_wait3A_28 : memref<4608xi32, #tpu.memory_space<hbm>>) dst(%arg9 : memref<4608xi32, #tpu.memory_space<vmem>>)
      tpu.yield
    }) : () -> ()
    %scan3A_12 = arith.constant 0 : i32
    %scan3A_13 = arith.constant 0 : i32
    %scan3A_14 = arith.constant 6 : i32
    %scan3A_15 = arith.addi %scan3A_13, %scan3A_14 : i32
    %scan3A_16 = arith.constant 1 : i32
    scf.for %scan3A_18 = %scan3A_13 to %scan3A_15 step %scan3A_16  : i32 {
      %mul3A_19 = arith.constant 36 : i32
      %mul3A_20 = arith.muli %add3A, %mul3A_19 : i32
      %mul3A_21 = arith.constant 6 : i32
      %mul3A_22 = arith.muli %scan3A_18, %mul3A_21 : i32
      %mul3A_23 = arith.constant 128 : i32
      %mul3A_24 = arith.muli %mul3A_22, %mul3A_23 : i32
      %dma_start3A_25 = tpu.memref_slice %arg9[%mul3A_24] : memref<4608xi32, #tpu.memory_space<vmem>> -> memref<768xi32, #tpu.memory_space<vmem>>
      %dma_start3A_26 = arith.constant 0 : i32
      %dma_start3A_27 = arith.constant 0 : i32
      %dma_start3A_28 = tpu.memref_slice %arg3[%dma_start3A_26, %dma_start3A_27] : memref<147456x32xf32, #tpu.memory_space<hbm>> -> memref<147456x32xf32, #tpu.memory_space<hbm>>
      tpu.enqueue_indirect_dma source(%dma_start3A_28 : memref<147456x32xf32, #tpu.memory_space<hbm>>) target(%arg10 : memref<768x32xf32, #tpu.memory_space<vmem>>) offsets(%dma_start3A_25 : memref<768xi32, #tpu.memory_space<vmem>>) semaphore(%arg12 : memref<!tpu.dma_semaphore, #tpu.memory_space<semaphore_mem>>)
      %mul3A_29 = arith.constant 36 : i32
      %mul3A_30 = arith.muli %add3A, %mul3A_29 : i32
      %mul3A_31 = arith.constant 6 : i32
      %mul3A_32 = arith.muli %scan3A_18, %mul3A_31 : i32
      %mul3A_33 = arith.constant 128 : i32
      %mul3A_34 = arith.muli %mul3A_32, %mul3A_33 : i32
      %dma_wait3A = tpu.memref_slice %arg9[%mul3A_34] : memref<4608xi32, #tpu.memory_space<vmem>> -> memref<768xi32, #tpu.memory_space<vmem>>
      %dma_wait3A_35 = arith.constant 0 : i32
      %dma_wait3A_36 = arith.constant 0 : i32
      %dma_wait3A_37 = tpu.memref_slice %arg3[%dma_wait3A_35, %dma_wait3A_36] : memref<147456x32xf32, #tpu.memory_space<hbm>> -> memref<147456x32xf32, #tpu.memory_space<hbm>>
      tpu.wait_indirect_dma semaphore(%arg12 : memref<!tpu.dma_semaphore, #tpu.memory_space<semaphore_mem>>) src(%dma_wait3A_37 : memref<147456x32xf32, #tpu.memory_space<hbm>>) dst(%arg10 : memref<768x32xf32, #tpu.memory_space<vmem>>)
      %mul3A_38 = arith.constant 6 : i32
      %mul3A_39 = arith.muli %scan3A_18, %mul3A_38 : i32
      %add3A_40 = arith.addi %mul3A_30, %mul3A_39 : i32
      %mul3A_41 = arith.constant 128 : i32
      %mul3A_42 = arith.muli %add3A_40, %mul3A_41 : i32
      "tpu.region"() ({
        %run_scoped3A = tpu.sem_alloc : memref<!tpu.dma_semaphore, #tpu.memory_space<semaphore_mem>>
        %dma_start3A_43 = arith.constant 0 : i32
        %dma_start3A_44 = tpu.memref_slice %arg7[%mul3A_42, %dma_start3A_43] : memref<147456x32xf32, #tpu.memory_space<hbm>> -> memref<768x32xf32, #tpu.memory_space<hbm>>
        %dma_start3A_45 = arith.constant 0 : i32
        %dma_start3A_46 = tpu.memref_slice %arg7[%mul3A_42, %dma_start3A_45] : memref<147456x32xf32, #tpu.memory_space<hbm>> -> memref<768x32xf32, #tpu.memory_space<hbm>>
        tpu.enqueue_dma source(%arg10 : memref<768x32xf32, #tpu.memory_space<vmem>>) target(%dma_start3A_46 : memref<768x32xf32, #tpu.memory_space<hbm>>) target_semaphore(%run_scoped3A : memref<!tpu.dma_semaphore, #tpu.memory_space<semaphore_mem>>)
        %dma_wait3A_47 = arith.constant 0 : i32
        %dma_wait3A_48 = tpu.memref_slice %arg7[%mul3A_42, %dma_wait3A_47] : memref<147456x32xf32, #tpu.memory_space<hbm>> -> memref<768x32xf32, #tpu.memory_space<hbm>>
        %dma_wait3A_49 = arith.constant 0 : i32
        %dma_wait3A_50 = tpu.memref_slice %arg7[%mul3A_42, %dma_wait3A_49] : memref<147456x32xf32, #tpu.memory_space<hbm>> -> memref<768x32xf32, #tpu.memory_space<hbm>>
        tpu.wait_dma2 semaphore(%run_scoped3A : memref<!tpu.dma_semaphore, #tpu.memory_space<semaphore_mem>>) src(%arg10 : memref<768x32xf32, #tpu.memory_space<vmem>>) dst(%dma_wait3A_50 : memref<768x32xf32, #tpu.memory_space<hbm>>)
        tpu.yield
      }) : () -> ()
    }
    %scan3A_17 = arith.constant 6 : i32
    return
  }
}

#map = affine_map<(d0, d1) -> (0, 0)>
#map1 = affine_map<(d0, d1) -> (0, 0, 0)>
module attributes {stable_mosaic.version = 14 : i64} {
  func.func @body(%arg0: i32, %arg1: i32, %arg2: memref<147456x32xf32, #tpu.memory_space<hbm>>, %arg3: memref<32x36x128xi32, #tpu.memory_space<hbm>>, %arg4: memref<147456x32xf32, #tpu.memory_space<hbm>>, %arg5: memref<36x128xi32, #tpu.memory_space<vmem>>, %arg6: memref<128x32xf32, #tpu.memory_space<vmem>>, %arg7: memref<!tpu.dma_semaphore, #tpu.memory_space<semaphore_mem>>) attributes {dimension_semantics = [#tpu.dimension_semantics<core_parallel>, #tpu.dimension_semantics<subcore_parallel>], iteration_bounds = array<i64: 2, 16>, scalar_prefetch = 0 : i64, scratch_operands = 3 : i64, tpu.core_type = #tpu.core_type<sc_vector_subcore>, window_params = [{transform_indices = #map}, {transform_indices = #map1}, {transform_indices = #map}]} {
    %mul3A = arith.constant 2 : i32
    %mul3A_0 = arith.muli %arg1, %mul3A : i32
    %add3A = arith.addi %mul3A_0, %arg0 : i32
    "tpu.region"() ({
      %run_scoped3A = tpu.sem_alloc : memref<!tpu.dma_semaphore, #tpu.memory_space<semaphore_mem>>
      %dma_start3A = arith.constant 0 : i32
      %dma_start3A_6 = arith.constant 0 : i32
      %dma_start3A_7 = tpu.memref_slice %arg3[%add3A, %dma_start3A, %dma_start3A_6] : memref<32x36x128xi32, #tpu.memory_space<hbm>> -> memref<1x36x128xi32, #tpu.memory_space<hbm>>
      %dma_start3A_8 = tpu.memref_squeeze %dma_start3A_7 : memref<1x36x128xi32, #tpu.memory_space<hbm>> -> memref<36x128xi32, #tpu.memory_space<hbm>>
      %dma_start3A_9 = arith.constant 0 : i32
      %dma_start3A_10 = arith.constant 0 : i32
      %dma_start3A_11 = tpu.memref_slice %arg3[%add3A, %dma_start3A_9, %dma_start3A_10] : memref<32x36x128xi32, #tpu.memory_space<hbm>> -> memref<1x36x128xi32, #tpu.memory_space<hbm>>
      %dma_start3A_12 = tpu.memref_squeeze %dma_start3A_11 : memref<1x36x128xi32, #tpu.memory_space<hbm>> -> memref<36x128xi32, #tpu.memory_space<hbm>>
      tpu.enqueue_dma source(%dma_start3A_12 : memref<36x128xi32, #tpu.memory_space<hbm>>) target(%arg5 : memref<36x128xi32, #tpu.memory_space<vmem>>) target_semaphore(%run_scoped3A : memref<!tpu.dma_semaphore, #tpu.memory_space<semaphore_mem>>)
      %dma_wait3A = arith.constant 0 : i32
      %dma_wait3A_13 = arith.constant 0 : i32
      %dma_wait3A_14 = tpu.memref_slice %arg3[%add3A, %dma_wait3A, %dma_wait3A_13] : memref<32x36x128xi32, #tpu.memory_space<hbm>> -> memref<1x36x128xi32, #tpu.memory_space<hbm>>
      %dma_wait3A_15 = tpu.memref_squeeze %dma_wait3A_14 : memref<1x36x128xi32, #tpu.memory_space<hbm>> -> memref<36x128xi32, #tpu.memory_space<hbm>>
      %dma_wait3A_16 = arith.constant 0 : i32
      %dma_wait3A_17 = arith.constant 0 : i32
      %dma_wait3A_18 = tpu.memref_slice %arg3[%add3A, %dma_wait3A_16, %dma_wait3A_17] : memref<32x36x128xi32, #tpu.memory_space<hbm>> -> memref<1x36x128xi32, #tpu.memory_space<hbm>>
      %dma_wait3A_19 = tpu.memref_squeeze %dma_wait3A_18 : memref<1x36x128xi32, #tpu.memory_space<hbm>> -> memref<36x128xi32, #tpu.memory_space<hbm>>
      tpu.wait_dma2 semaphore(%run_scoped3A : memref<!tpu.dma_semaphore, #tpu.memory_space<semaphore_mem>>) src(%dma_wait3A_19 : memref<36x128xi32, #tpu.memory_space<hbm>>) dst(%arg5 : memref<36x128xi32, #tpu.memory_space<vmem>>)
      tpu.yield
    }) : () -> ()
    %scan3A = arith.constant 0 : i32
    %scan3A_1 = arith.constant 0 : i32
    %scan3A_2 = arith.constant 36 : i32
    %scan3A_3 = arith.addi %scan3A_1, %scan3A_2 : i32
    %scan3A_4 = arith.constant 1 : i32
    scf.for %scan3A_6 = %scan3A_1 to %scan3A_3 step %scan3A_4  : i32 {
      %mul3A_7 = arith.constant 36 : i32
      %mul3A_8 = arith.muli %add3A, %mul3A_7 : i32
      %add3A_9 = arith.addi %mul3A_8, %scan3A_6 : i32
      %mul3A_10 = arith.constant 128 : i32
      %mul3A_11 = arith.muli %add3A_9, %mul3A_10 : i32
      "tpu.region"() ({
        %run_scoped3A = tpu.sem_alloc : memref<!tpu.dma_semaphore, #tpu.memory_space<semaphore_mem>>
        %dma_start3A_22 = arith.constant 0 : i32
        %dma_start3A_23 = tpu.memref_slice %arg2[%mul3A_11, %dma_start3A_22] : memref<147456x32xf32, #tpu.memory_space<hbm>> -> memref<128x32xf32, #tpu.memory_space<hbm>>
        %dma_start3A_24 = arith.constant 0 : i32
        %dma_start3A_25 = tpu.memref_slice %arg2[%mul3A_11, %dma_start3A_24] : memref<147456x32xf32, #tpu.memory_space<hbm>> -> memref<128x32xf32, #tpu.memory_space<hbm>>
        tpu.enqueue_dma source(%dma_start3A_25 : memref<128x32xf32, #tpu.memory_space<hbm>>) target(%arg6 : memref<128x32xf32, #tpu.memory_space<vmem>>) target_semaphore(%run_scoped3A : memref<!tpu.dma_semaphore, #tpu.memory_space<semaphore_mem>>)
        %dma_wait3A_26 = arith.constant 0 : i32
        %dma_wait3A_27 = tpu.memref_slice %arg2[%mul3A_11, %dma_wait3A_26] : memref<147456x32xf32, #tpu.memory_space<hbm>> -> memref<128x32xf32, #tpu.memory_space<hbm>>
        %dma_wait3A_28 = arith.constant 0 : i32
        %dma_wait3A_29 = tpu.memref_slice %arg2[%mul3A_11, %dma_wait3A_28] : memref<147456x32xf32, #tpu.memory_space<hbm>> -> memref<128x32xf32, #tpu.memory_space<hbm>>
        tpu.wait_dma2 semaphore(%run_scoped3A : memref<!tpu.dma_semaphore, #tpu.memory_space<semaphore_mem>>) src(%dma_wait3A_29 : memref<128x32xf32, #tpu.memory_space<hbm>>) dst(%arg6 : memref<128x32xf32, #tpu.memory_space<vmem>>)
        tpu.yield
      }) : () -> ()
      %dma_start3A = arith.constant 0 : i32
      %dma_start3A_12 = tpu.memref_slice %arg5[%scan3A_6, %dma_start3A] : memref<36x128xi32, #tpu.memory_space<vmem>> -> memref<1x128xi32, #tpu.memory_space<vmem>>
      %dma_start3A_13 = tpu.memref_squeeze %dma_start3A_12 : memref<1x128xi32, #tpu.memory_space<vmem>> -> memref<128xi32, #tpu.memory_space<vmem>>
      %dma_start3A_14 = arith.constant 0 : i32
      %dma_start3A_15 = arith.constant 0 : i32
      %dma_start3A_16 = tpu.memref_slice %arg4[%dma_start3A_14, %dma_start3A_15] : memref<147456x32xf32, #tpu.memory_space<hbm>> -> memref<147456x32xf32, #tpu.memory_space<hbm>>
      tpu.enqueue_indirect_dma source(%arg6 : memref<128x32xf32, #tpu.memory_space<vmem>>) target(%dma_start3A_16 : memref<147456x32xf32, #tpu.memory_space<hbm>>) offsets(%dma_start3A_13 : memref<128xi32, #tpu.memory_space<vmem>>) semaphore(%arg7 : memref<!tpu.dma_semaphore, #tpu.memory_space<semaphore_mem>>)
      %dma_wait3A = arith.constant 0 : i32
      %dma_wait3A_17 = tpu.memref_slice %arg5[%scan3A_6, %dma_wait3A] : memref<36x128xi32, #tpu.memory_space<vmem>> -> memref<1x128xi32, #tpu.memory_space<vmem>>
      %dma_wait3A_18 = tpu.memref_squeeze %dma_wait3A_17 : memref<1x128xi32, #tpu.memory_space<vmem>> -> memref<128xi32, #tpu.memory_space<vmem>>
      %dma_wait3A_19 = arith.constant 0 : i32
      %dma_wait3A_20 = arith.constant 0 : i32
      %dma_wait3A_21 = tpu.memref_slice %arg4[%dma_wait3A_19, %dma_wait3A_20] : memref<147456x32xf32, #tpu.memory_space<hbm>> -> memref<147456x32xf32, #tpu.memory_space<hbm>>
      tpu.wait_indirect_dma semaphore(%arg7 : memref<!tpu.dma_semaphore, #tpu.memory_space<semaphore_mem>>) src(%arg6 : memref<128x32xf32, #tpu.memory_space<vmem>>) dst(%dma_wait3A_21 : memref<147456x32xf32, #tpu.memory_space<hbm>>)
    }
    %scan3A_5 = arith.constant 36 : i32
    return
  }
}

module attributes {stable_mosaic.version = 14 : i64} {
  func.func @_k1_body(%arg0: i32, %arg1: memref<32x250880xf32, #tpu.memory_space<any>>, %arg2: memref<9x32x32xbf16, #tpu.memory_space<vmem>>, %arg3: memref<9x32x32xbf16, #tpu.memory_space<vmem>>, %arg4: memref<2xf32, #tpu.memory_space<smem>>, %arg5: memref<2x32xf32, #tpu.memory_space<vmem>>, %arg6: memref<7680x32xf32, #tpu.memory_space<vmem>>, %arg7: memref<2x32x11520xf32, #tpu.memory_space<vmem>>, %arg8: memref<2x!tpu.dma_semaphore, #tpu.memory_space<semaphore_mem>>) attributes {dimension_semantics = [#tpu.dimension_semantics<arbitrary>], iteration_bounds = array<i64: 32>, scalar_prefetch = 0 : i64, scratch_operands = 2 : i64, tpu.core_type = #tpu.core_type<tc>, window_params = [{}, {pipeline_mode = #tpu.pipeline_mode<synchronous>, transform_indices = @transform_1, window_bounds = array<i64: 9, 32, 32>}, {pipeline_mode = #tpu.pipeline_mode<synchronous>, transform_indices = @transform_2, window_bounds = array<i64: 9, 32, 32>}, {transform_indices = @transform_3, window_bounds = array<i64: 2>}, {pipeline_mode = #tpu.pipeline_mode<synchronous>, transform_indices = @transform_4, window_bounds = array<i64: 2, 32>}, {transform_indices = @transform_5, window_bounds = array<i64: 7680, 32>}]} {
    %rem3A = arith.constant 2 : i32
    %rem3A_0 = arith.remsi %arg0, %rem3A : i32
    %add3A = arith.constant 1 : i32
    %add3A_1 = arith.addi %arg0, %add3A : i32
    %rem3A_2 = arith.constant 2 : i32
    %rem3A_3 = arith.remsi %add3A_1, %rem3A_2 : i32
    %eq3A = arith.constant 0 : i32
    %eq3A_4 = arith.cmpi eq, %arg0, %eq3A : i32
    %convert_element_type3A = arith.extui %eq3A_4 : i1 to i32
    %cond3A = arith.constant 0 : i32
    %cond3A_5 = arith.cmpi ne, %convert_element_type3A, %cond3A : i32
    scf.if %cond3A_5 {
      %dma_start3A = arith.constant 0 : i32
      %dma_start3A_333 = arith.constant 0 : i32
      %dma_start3A_334 = tpu.memref_slice %arg8[%dma_start3A_333] : memref<2x!tpu.dma_semaphore, #tpu.memory_space<semaphore_mem>> -> memref<1x!tpu.dma_semaphore, #tpu.memory_space<semaphore_mem>>
      %dma_start3A_335 = tpu.memref_squeeze %dma_start3A_334 : memref<1x!tpu.dma_semaphore, #tpu.memory_space<semaphore_mem>> -> memref<!tpu.dma_semaphore, #tpu.memory_space<semaphore_mem>>
      %dma_start3A_336 = arith.constant 0 : i32
      %dma_start3A_337 = arith.constant 0 : i32
      %dma_start3A_338 = tpu.memref_slice %arg7[%dma_start3A, %dma_start3A_336, %dma_start3A_337] : memref<2x32x11520xf32, #tpu.memory_space<vmem>> -> memref<1x32x11520xf32, #tpu.memory_space<vmem>>
      %dma_start3A_339 = tpu.memref_squeeze %dma_start3A_338 : memref<1x32x11520xf32, #tpu.memory_space<vmem>> -> memref<32x11520xf32, #tpu.memory_space<vmem>>
      %dma_start3A_340 = arith.constant 0 : i32
      %dma_start3A_341 = arith.constant 640 : i32
      %dma_start3A_342 = tpu.memref_slice %arg1[%dma_start3A_340, %dma_start3A_341] : memref<32x250880xf32, #tpu.memory_space<any>> -> memref<32x11520xf32, #tpu.memory_space<any>>
      tpu.enqueue_dma source(%dma_start3A_342 : memref<32x11520xf32, #tpu.memory_space<any>>) target(%dma_start3A_339 : memref<32x11520xf32, #tpu.memory_space<vmem>>) target_semaphore(%dma_start3A_335 : memref<!tpu.dma_semaphore, #tpu.memory_space<semaphore_mem>>)
    } else {
    }
    %add3A_6 = arith.constant 1 : i32
    %add3A_7 = arith.addi %arg0, %add3A_6 : i32
    %lt3A = arith.constant 32 : i32
    %lt3A_8 = arith.cmpi slt, %add3A_7, %lt3A : i32
    %convert_element_type3A_9 = arith.extui %lt3A_8 : i1 to i32
    %cond3A_10 = arith.constant 0 : i32
    %cond3A_11 = arith.cmpi ne, %convert_element_type3A_9, %cond3A_10 : i32
    scf.if %cond3A_11 {
      %add3A_333 = arith.constant 1 : i32
      %add3A_334 = arith.addi %arg0, %add3A_333 : i32
      %mul3A_335 = arith.constant 12 : i32
      %mul3A_336 = arith.muli %add3A_334, %mul3A_335 : i32
      %add3A_337 = arith.constant 1 : i32
      %add3A_338 = arith.addi %mul3A_336, %add3A_337 : i32
      %mul3A_339 = arith.constant 640 : i32
      %mul3A_340 = arith.muli %add3A_338, %mul3A_339 : i32
      %dma_start3A = tpu.memref_slice %arg8[%rem3A_3] : memref<2x!tpu.dma_semaphore, #tpu.memory_space<semaphore_mem>> -> memref<1x!tpu.dma_semaphore, #tpu.memory_space<semaphore_mem>>
      %dma_start3A_341 = tpu.memref_squeeze %dma_start3A : memref<1x!tpu.dma_semaphore, #tpu.memory_space<semaphore_mem>> -> memref<!tpu.dma_semaphore, #tpu.memory_space<semaphore_mem>>
      %dma_start3A_342 = arith.constant 0 : i32
      %dma_start3A_343 = arith.constant 0 : i32
      %dma_start3A_344 = tpu.memref_slice %arg7[%rem3A_3, %dma_start3A_342, %dma_start3A_343] : memref<2x32x11520xf32, #tpu.memory_space<vmem>> -> memref<1x32x11520xf32, #tpu.memory_space<vmem>>
      %dma_start3A_345 = tpu.memref_squeeze %dma_start3A_344 : memref<1x32x11520xf32, #tpu.memory_space<vmem>> -> memref<32x11520xf32, #tpu.memory_space<vmem>>
      %dma_start3A_346 = arith.constant 0 : i32
      %dma_start3A_347 = tpu.memref_slice %arg1[%dma_start3A_346, %mul3A_340] : memref<32x250880xf32, #tpu.memory_space<any>> -> memref<32x11520xf32, #tpu.memory_space<any>>
      tpu.enqueue_dma source(%dma_start3A_347 : memref<32x11520xf32, #tpu.memory_space<any>>) target(%dma_start3A_345 : memref<32x11520xf32, #tpu.memory_space<vmem>>) target_semaphore(%dma_start3A_341 : memref<!tpu.dma_semaphore, #tpu.memory_space<semaphore_mem>>)
    } else {
    }
    %mul3A = arith.constant 12 : i32
    %mul3A_12 = arith.muli %arg0, %mul3A : i32
    %add3A_13 = arith.constant 1 : i32
    %add3A_14 = arith.addi %mul3A_12, %add3A_13 : i32
    %mul3A_15 = arith.constant 640 : i32
    %mul3A_16 = arith.muli %add3A_14, %mul3A_15 : i32
    %dma_wait3A = tpu.memref_slice %arg8[%rem3A_0] : memref<2x!tpu.dma_semaphore, #tpu.memory_space<semaphore_mem>> -> memref<1x!tpu.dma_semaphore, #tpu.memory_space<semaphore_mem>>
    %dma_wait3A_17 = tpu.memref_squeeze %dma_wait3A : memref<1x!tpu.dma_semaphore, #tpu.memory_space<semaphore_mem>> -> memref<!tpu.dma_semaphore, #tpu.memory_space<semaphore_mem>>
    %dma_wait3A_18 = arith.constant 0 : i32
    %dma_wait3A_19 = arith.constant 0 : i32
    %dma_wait3A_20 = tpu.memref_slice %arg7[%rem3A_0, %dma_wait3A_18, %dma_wait3A_19] : memref<2x32x11520xf32, #tpu.memory_space<vmem>> -> memref<1x32x11520xf32, #tpu.memory_space<vmem>>
    %dma_wait3A_21 = tpu.memref_squeeze %dma_wait3A_20 : memref<1x32x11520xf32, #tpu.memory_space<vmem>> -> memref<32x11520xf32, #tpu.memory_space<vmem>>
    %dma_wait3A_22 = arith.constant 0 : i32
    %dma_wait3A_23 = tpu.memref_slice %arg1[%dma_wait3A_22, %mul3A_16] : memref<32x250880xf32, #tpu.memory_space<any>> -> memref<32x11520xf32, #tpu.memory_space<any>>
    tpu.wait_dma2 semaphore(%dma_wait3A_17 : memref<!tpu.dma_semaphore, #tpu.memory_space<semaphore_mem>>) src(%dma_wait3A_23 : memref<32x11520xf32, #tpu.memory_space<any>>) dst(%dma_wait3A_21 : memref<32x11520xf32, #tpu.memory_space<vmem>>)
    %get3A = arith.index_cast %rem3A_0 : i32 to index
    %get3A_24 = arith.constant 0 : index
    %get3A_25 = arith.constant 0 : index
    %get3A_26 = vector.load %arg7[%get3A, %get3A_24, %get3A_25] : memref<2x32x11520xf32, #tpu.memory_space<vmem>>, vector<1x32x11520xf32>
    %get3A_27 = vector.shape_cast %get3A_26 : vector<1x32x11520xf32> to vector<32x11520xf32>
    %convert_element_type3A_28 = arith.truncf %get3A_27 : vector<32x11520xf32> to vector<32x11520xbf16>
    %get3A_29 = arith.constant 0 : index
    %get3A_30 = memref.load %arg4[%get3A_29] : memref<2xf32, #tpu.memory_space<smem>>
    %get3A_31 = arith.constant 1 : index
    %get3A_32 = memref.load %arg4[%get3A_31] : memref<2xf32, #tpu.memory_space<smem>>
    %broadcast_in_dim3A = arith.constant 0.000000e+00 : f32
    %broadcast_in_dim3A_33 = vector.broadcast %broadcast_in_dim3A : f32 to vector<32x8960xf32>
    %roll3A = arith.constant 1 : i32
    %roll3A_34 = tpu.dynamic_rotate %convert_element_type3A_28 by %roll3A dim 1 : vector<32x11520xbf16>, i32 -> vector<32x11520xbf16>
    %get3A_35 = arith.constant 0 : index
    %get3A_36 = arith.constant 0 : index
    %get3A_37 = arith.constant 0 : index
    %get3A_38 = vector.load %arg2[%get3A_35, %get3A_36, %get3A_37] : memref<9x32x32xbf16, #tpu.memory_space<vmem>>, vector<1x32x32xbf16>
    %get3A_39 = vector.shape_cast %get3A_38 : vector<1x32x32xbf16> to vector<32x32xbf16>
    %slice3A = vector.extract_strided_slice %roll3A_34 {offsets = [0, 640], sizes = [32, 8960], strides = [1, 1]} : vector<32x11520xbf16> to vector<32x8960xbf16>
    %dot_general3A = arith.constant dense<0.000000e+00> : vector<32x8960xf32>
    %dot_general3A_40 = tpu.matmul %get3A_39, %slice3A, %dot_general3A {dimension_numbers = #tpu.dot_dimension_numbers<[1], [0], [0], [1], [0, 0, 1, 1], [], []>, transpose_lhs_hint = false} : vector<32x32xbf16>, vector<32x8960xbf16>, vector<32x8960xf32> -> vector<32x8960xf32>
    %add3A_41 = arith.addf %broadcast_in_dim3A_33, %dot_general3A_40 : vector<32x8960xf32>
    %get3A_42 = arith.constant 3 : index
    %get3A_43 = arith.constant 0 : index
    %get3A_44 = arith.constant 0 : index
    %get3A_45 = vector.load %arg2[%get3A_42, %get3A_43, %get3A_44] : memref<9x32x32xbf16, #tpu.memory_space<vmem>>, vector<1x32x32xbf16>
    %get3A_46 = vector.shape_cast %get3A_45 : vector<1x32x32xbf16> to vector<32x32xbf16>
    %slice3A_47 = vector.extract_strided_slice %roll3A_34 {offsets = [0, 1280], sizes = [32, 8960], strides = [1, 1]} : vector<32x11520xbf16> to vector<32x8960xbf16>
    %dot_general3A_48 = arith.constant dense<0.000000e+00> : vector<32x8960xf32>
    %dot_general3A_49 = tpu.matmul %get3A_46, %slice3A_47, %dot_general3A_48 {dimension_numbers = #tpu.dot_dimension_numbers<[1], [0], [0], [1], [0, 0, 1, 1], [], []>, transpose_lhs_hint = false} : vector<32x32xbf16>, vector<32x8960xbf16>, vector<32x8960xf32> -> vector<32x8960xf32>
    %add3A_50 = arith.addf %add3A_41, %dot_general3A_49 : vector<32x8960xf32>
    %get3A_51 = arith.constant 6 : index
    %get3A_52 = arith.constant 0 : index
    %get3A_53 = arith.constant 0 : index
    %get3A_54 = vector.load %arg2[%get3A_51, %get3A_52, %get3A_53] : memref<9x32x32xbf16, #tpu.memory_space<vmem>>, vector<1x32x32xbf16>
    %get3A_55 = vector.shape_cast %get3A_54 : vector<1x32x32xbf16> to vector<32x32xbf16>
    %slice3A_56 = vector.extract_strided_slice %roll3A_34 {offsets = [0, 1920], sizes = [32, 8960], strides = [1, 1]} : vector<32x11520xbf16> to vector<32x8960xbf16>
    %dot_general3A_57 = arith.constant dense<0.000000e+00> : vector<32x8960xf32>
    %dot_general3A_58 = tpu.matmul %get3A_55, %slice3A_56, %dot_general3A_57 {dimension_numbers = #tpu.dot_dimension_numbers<[1], [0], [0], [1], [0, 0, 1, 1], [], []>, transpose_lhs_hint = false} : vector<32x32xbf16>, vector<32x8960xbf16>, vector<32x8960xf32> -> vector<32x8960xf32>
    %add3A_59 = arith.addf %add3A_50, %dot_general3A_58 : vector<32x8960xf32>
    %get3A_60 = arith.constant 1 : index
    %get3A_61 = arith.constant 0 : index
    %get3A_62 = arith.constant 0 : index
    %get3A_63 = vector.load %arg2[%get3A_60, %get3A_61, %get3A_62] : memref<9x32x32xbf16, #tpu.memory_space<vmem>>, vector<1x32x32xbf16>
    %get3A_64 = vector.shape_cast %get3A_63 : vector<1x32x32xbf16> to vector<32x32xbf16>
    %slice3A_65 = vector.extract_strided_slice %convert_element_type3A_28 {offsets = [0, 640], sizes = [32, 8960], strides = [1, 1]} : vector<32x11520xbf16> to vector<32x8960xbf16>
    %dot_general3A_66 = arith.constant dense<0.000000e+00> : vector<32x8960xf32>
    %dot_general3A_67 = tpu.matmul %get3A_64, %slice3A_65, %dot_general3A_66 {dimension_numbers = #tpu.dot_dimension_numbers<[1], [0], [0], [1], [0, 0, 1, 1], [], []>, transpose_lhs_hint = false} : vector<32x32xbf16>, vector<32x8960xbf16>, vector<32x8960xf32> -> vector<32x8960xf32>
    %add3A_68 = arith.addf %add3A_59, %dot_general3A_67 : vector<32x8960xf32>
    %get3A_69 = arith.constant 4 : index
    %get3A_70 = arith.constant 0 : index
    %get3A_71 = arith.constant 0 : index
    %get3A_72 = vector.load %arg2[%get3A_69, %get3A_70, %get3A_71] : memref<9x32x32xbf16, #tpu.memory_space<vmem>>, vector<1x32x32xbf16>
    %get3A_73 = vector.shape_cast %get3A_72 : vector<1x32x32xbf16> to vector<32x32xbf16>
    %slice3A_74 = vector.extract_strided_slice %convert_element_type3A_28 {offsets = [0, 1280], sizes = [32, 8960], strides = [1, 1]} : vector<32x11520xbf16> to vector<32x8960xbf16>
    %dot_general3A_75 = arith.constant dense<0.000000e+00> : vector<32x8960xf32>
    %dot_general3A_76 = tpu.matmul %get3A_73, %slice3A_74, %dot_general3A_75 {dimension_numbers = #tpu.dot_dimension_numbers<[1], [0], [0], [1], [0, 0, 1, 1], [], []>, transpose_lhs_hint = false} : vector<32x32xbf16>, vector<32x8960xbf16>, vector<32x8960xf32> -> vector<32x8960xf32>
    %add3A_77 = arith.addf %add3A_68, %dot_general3A_76 : vector<32x8960xf32>
    %get3A_78 = arith.constant 7 : index
    %get3A_79 = arith.constant 0 : index
    %get3A_80 = arith.constant 0 : index
    %get3A_81 = vector.load %arg2[%get3A_78, %get3A_79, %get3A_80] : memref<9x32x32xbf16, #tpu.memory_space<vmem>>, vector<1x32x32xbf16>
    %get3A_82 = vector.shape_cast %get3A_81 : vector<1x32x32xbf16> to vector<32x32xbf16>
    %slice3A_83 = vector.extract_strided_slice %convert_element_type3A_28 {offsets = [0, 1920], sizes = [32, 8960], strides = [1, 1]} : vector<32x11520xbf16> to vector<32x8960xbf16>
    %dot_general3A_84 = arith.constant dense<0.000000e+00> : vector<32x8960xf32>
    %dot_general3A_85 = tpu.matmul %get3A_82, %slice3A_83, %dot_general3A_84 {dimension_numbers = #tpu.dot_dimension_numbers<[1], [0], [0], [1], [0, 0, 1, 1], [], []>, transpose_lhs_hint = false} : vector<32x32xbf16>, vector<32x8960xbf16>, vector<32x8960xf32> -> vector<32x8960xf32>
    %add3A_86 = arith.addf %add3A_77, %dot_general3A_85 : vector<32x8960xf32>
    %roll3A_87 = arith.constant 11519 : i32
    %roll3A_88 = tpu.dynamic_rotate %convert_element_type3A_28 by %roll3A_87 dim 1 : vector<32x11520xbf16>, i32 -> vector<32x11520xbf16>
    %get3A_89 = arith.constant 2 : index
    %get3A_90 = arith.constant 0 : index
    %get3A_91 = arith.constant 0 : index
    %get3A_92 = vector.load %arg2[%get3A_89, %get3A_90, %get3A_91] : memref<9x32x32xbf16, #tpu.memory_space<vmem>>, vector<1x32x32xbf16>
    %get3A_93 = vector.shape_cast %get3A_92 : vector<1x32x32xbf16> to vector<32x32xbf16>
    %slice3A_94 = vector.extract_strided_slice %roll3A_88 {offsets = [0, 640], sizes = [32, 8960], strides = [1, 1]} : vector<32x11520xbf16> to vector<32x8960xbf16>
    %dot_general3A_95 = arith.constant dense<0.000000e+00> : vector<32x8960xf32>
    %dot_general3A_96 = tpu.matmul %get3A_93, %slice3A_94, %dot_general3A_95 {dimension_numbers = #tpu.dot_dimension_numbers<[1], [0], [0], [1], [0, 0, 1, 1], [], []>, transpose_lhs_hint = false} : vector<32x32xbf16>, vector<32x8960xbf16>, vector<32x8960xf32> -> vector<32x8960xf32>
    %add3A_97 = arith.addf %add3A_86, %dot_general3A_96 : vector<32x8960xf32>
    %get3A_98 = arith.constant 5 : index
    %get3A_99 = arith.constant 0 : index
    %get3A_100 = arith.constant 0 : index
    %get3A_101 = vector.load %arg2[%get3A_98, %get3A_99, %get3A_100] : memref<9x32x32xbf16, #tpu.memory_space<vmem>>, vector<1x32x32xbf16>
    %get3A_102 = vector.shape_cast %get3A_101 : vector<1x32x32xbf16> to vector<32x32xbf16>
    %slice3A_103 = vector.extract_strided_slice %roll3A_88 {offsets = [0, 1280], sizes = [32, 8960], strides = [1, 1]} : vector<32x11520xbf16> to vector<32x8960xbf16>
    %dot_general3A_104 = arith.constant dense<0.000000e+00> : vector<32x8960xf32>
    %dot_general3A_105 = tpu.matmul %get3A_102, %slice3A_103, %dot_general3A_104 {dimension_numbers = #tpu.dot_dimension_numbers<[1], [0], [0], [1], [0, 0, 1, 1], [], []>, transpose_lhs_hint = false} : vector<32x32xbf16>, vector<32x8960xbf16>, vector<32x8960xf32> -> vector<32x8960xf32>
    %add3A_106 = arith.addf %add3A_97, %dot_general3A_105 : vector<32x8960xf32>
    %get3A_107 = arith.constant 8 : index
    %get3A_108 = arith.constant 0 : index
    %get3A_109 = arith.constant 0 : index
    %get3A_110 = vector.load %arg2[%get3A_107, %get3A_108, %get3A_109] : memref<9x32x32xbf16, #tpu.memory_space<vmem>>, vector<1x32x32xbf16>
    %get3A_111 = vector.shape_cast %get3A_110 : vector<1x32x32xbf16> to vector<32x32xbf16>
    %slice3A_112 = vector.extract_strided_slice %roll3A_88 {offsets = [0, 1920], sizes = [32, 8960], strides = [1, 1]} : vector<32x11520xbf16> to vector<32x8960xbf16>
    %dot_general3A_113 = arith.constant dense<0.000000e+00> : vector<32x8960xf32>
    %dot_general3A_114 = tpu.matmul %get3A_111, %slice3A_112, %dot_general3A_113 {dimension_numbers = #tpu.dot_dimension_numbers<[1], [0], [0], [1], [0, 0, 1, 1], [], []>, transpose_lhs_hint = false} : vector<32x32xbf16>, vector<32x8960xbf16>, vector<32x8960xf32> -> vector<32x8960xf32>
    %add3A_115 = arith.addf %add3A_106, %dot_general3A_114 : vector<32x8960xf32>
    %get3A_116 = arith.constant 0 : index
    %get3A_117 = arith.constant 0 : index
    %get3A_118 = vector.load %arg5[%get3A_116, %get3A_117] : memref<2x32xf32, #tpu.memory_space<vmem>>, vector<1x32xf32>
    %get3A_119 = vector.shape_cast %get3A_118 : vector<1x32xf32> to vector<32xf32>
    %broadcast_in_dim3A_120 = vector.shape_cast %get3A_119 : vector<32xf32> to vector<32x1xf32>
    %add3A_121 = vector.broadcast %broadcast_in_dim3A_120 : vector<32x1xf32> to vector<32x8960xf32>
    %add3A_122 = arith.addf %add3A_115, %add3A_121 : vector<32x8960xf32>
    %ge3A = arith.constant 0.000000e+00 : f32
    %ge3A_123 = vector.broadcast %ge3A : f32 to vector<32x8960xf32>
    %ge3A_124 = arith.cmpf oge, %add3A_122, %ge3A_123 : vector<32x8960xf32>
    %mul3A_125 = vector.broadcast %get3A_30 : f32 to vector<32x8960xf32>
    %mul3A_126 = arith.mulf %mul3A_125, %add3A_122 : vector<32x8960xf32>
    %select_n3A = arith.select %ge3A_124, %add3A_122, %mul3A_126 : vector<32x8960xi1>, vector<32x8960xf32>
    %iota3A = tpu.iota {dimensions = array<i32: 1>} : vector<32x8960xi32>
    %jit3A = arith.constant 640 : i32
    %eq3A_127 = arith.constant 0 : i32
    %eq3A_128 = arith.cmpi eq, %jit3A, %eq3A_127 : i32
    %jit3A_129 = arith.constant 1 : i32
    %select_n3A_130 = arith.select %eq3A_128, %jit3A_129, %jit3A : i32
    %rem3A_131 = vector.broadcast %select_n3A_130 : i32 to vector<32x8960xi32>
    %rem3A_132 = arith.remsi %iota3A, %rem3A_131 : vector<32x8960xi32>
    %ne3A = arith.constant 0 : i32
    %ne3A_133 = vector.broadcast %ne3A : i32 to vector<32x8960xi32>
    %ne3A_134 = arith.cmpi ne, %rem3A_132, %ne3A_133 : vector<32x8960xi32>
    %lt3A_135 = arith.constant 0 : i32
    %lt3A_136 = vector.broadcast %lt3A_135 : i32 to vector<32x8960xi32>
    %lt3A_137 = arith.cmpi slt, %rem3A_132, %lt3A_136 : vector<32x8960xi32>
    %lt3A_138 = arith.constant 0 : i32
    %lt3A_139 = arith.cmpi slt, %select_n3A_130, %lt3A_138 : i32
    %ne3A_140 = vector.broadcast %lt3A_139 : i1 to vector<32x8960xi1>
    %ne3A_141 = vector.broadcast %ne3A_140 : vector<32x8960xi1> to vector<32x8960xi1>
    %ne3A_142 = arith.xori %lt3A_137, %ne3A_141 : vector<32x8960xi1>
    %and3A = arith.andi %ne3A_142, %ne3A_134 : vector<32x8960xi1>
    %add3A_143 = vector.broadcast %select_n3A_130 : i32 to vector<32x8960xi32>
    %add3A_144 = arith.addi %rem3A_132, %add3A_143 : vector<32x8960xi32>
    %select_n3A_145 = arith.select %and3A, %add3A_144, %rem3A_132 : vector<32x8960xi1>, vector<32x8960xi32>
    %mul3A_146 = arith.constant 12 : i32
    %mul3A_147 = arith.muli %arg0, %mul3A_146 : i32
    %add3A_148 = arith.constant 3 : i32
    %add3A_149 = arith.addi %mul3A_147, %add3A_148 : i32
    %jit3A_150 = arith.constant 640 : i32
    %div3A = vector.broadcast %jit3A_150 : i32 to vector<32x8960xi32>
    %div3A_151 = arith.divsi %iota3A, %div3A : vector<32x8960xi32>
    %sign3A = arith.constant 0 : i32
    %sign3A_152 = vector.broadcast %sign3A : i32 to vector<32x8960xi32>
    %sign3A_153 = arith.cmpi sgt, %iota3A, %sign3A_152 : vector<32x8960xi32>
    %sign3A_154 = arith.extui %sign3A_153 : vector<32x8960xi1> to vector<32x8960xi32>
    %sign3A_155 = arith.constant 0 : i32
    %sign3A_156 = vector.broadcast %sign3A_155 : i32 to vector<32x8960xi32>
    %sign3A_157 = arith.cmpi slt, %iota3A, %sign3A_156 : vector<32x8960xi32>
    %sign3A_158 = arith.extui %sign3A_157 : vector<32x8960xi1> to vector<32x8960xi32>
    %sign3A_159 = arith.subi %sign3A_154, %sign3A_158 : vector<32x8960xi32>
    %sign3A_160 = arith.constant 0 : i32
    %sign3A_161 = arith.cmpi sgt, %jit3A_150, %sign3A_160 : i32
    %sign3A_162 = arith.extui %sign3A_161 : i1 to i32
    %sign3A_163 = arith.constant 0 : i32
    %sign3A_164 = arith.cmpi slt, %jit3A_150, %sign3A_163 : i32
    %sign3A_165 = arith.extui %sign3A_164 : i1 to i32
    %sign3A_166 = arith.subi %sign3A_162, %sign3A_165 : i32
    %ne3A_167 = vector.broadcast %sign3A_166 : i32 to vector<32x8960xi32>
    %ne3A_168 = arith.cmpi ne, %sign3A_159, %ne3A_167 : vector<32x8960xi32>
    %rem3A_169 = vector.broadcast %jit3A_150 : i32 to vector<32x8960xi32>
    %rem3A_170 = arith.remsi %iota3A, %rem3A_169 : vector<32x8960xi32>
    %ne3A_171 = arith.constant 0 : i32
    %ne3A_172 = vector.broadcast %ne3A_171 : i32 to vector<32x8960xi32>
    %ne3A_173 = arith.cmpi ne, %rem3A_170, %ne3A_172 : vector<32x8960xi32>
    %and3A_174 = arith.andi %ne3A_168, %ne3A_173 : vector<32x8960xi1>
    %sub3A = arith.constant 1 : i32
    %sub3A_175 = vector.broadcast %sub3A : i32 to vector<32x8960xi32>
    %sub3A_176 = arith.subi %div3A_151, %sub3A_175 : vector<32x8960xi32>
    %select_n3A_177 = arith.select %and3A_174, %sub3A_176, %div3A_151 : vector<32x8960xi1>, vector<32x8960xi32>
    %add3A_178 = vector.broadcast %add3A_149 : i32 to vector<32x8960xi32>
    %add3A_179 = arith.addi %add3A_178, %select_n3A_177 : vector<32x8960xi32>
    %ge3A_180 = arith.constant 8 : i32
    %ge3A_181 = vector.broadcast %ge3A_180 : i32 to vector<32x8960xi32>
    %ge3A_182 = arith.cmpi sge, %select_n3A_145, %ge3A_181 : vector<32x8960xi32>
    %lt3A_183 = arith.constant 392 : i32
    %lt3A_184 = vector.broadcast %lt3A_183 : i32 to vector<32x8960xi32>
    %lt3A_185 = arith.cmpi slt, %select_n3A_145, %lt3A_184 : vector<32x8960xi32>
    %and3A_186 = arith.andi %ge3A_182, %lt3A_185 : vector<32x8960xi1>
    %ge3A_187 = arith.constant 4 : i32
    %ge3A_188 = vector.broadcast %ge3A_187 : i32 to vector<32x8960xi32>
    %ge3A_189 = arith.cmpi sge, %add3A_179, %ge3A_188 : vector<32x8960xi32>
    %and3A_190 = arith.andi %and3A_186, %ge3A_189 : vector<32x8960xi1>
    %le3A = arith.constant 387 : i32
    %le3A_191 = vector.broadcast %le3A : i32 to vector<32x8960xi32>
    %le3A_192 = arith.cmpi sle, %add3A_179, %le3A_191 : vector<32x8960xi32>
    %and3A_193 = arith.andi %and3A_190, %le3A_192 : vector<32x8960xi1>
    %jit3A_194 = arith.constant 0.000000e+00 : f32
    %broadcast_in_dim3A_195 = vector.broadcast %jit3A_194 : f32 to vector<32x8960xf32>
    %select_n3A_196 = arith.select %and3A_193, %select_n3A, %broadcast_in_dim3A_195 : vector<32x8960xi1>, vector<32x8960xf32>
    %convert_element_type3A_197 = arith.truncf %select_n3A_196 : vector<32x8960xf32> to vector<32x8960xbf16>
    %broadcast_in_dim3A_198 = arith.constant 0.000000e+00 : f32
    %broadcast_in_dim3A_199 = vector.broadcast %broadcast_in_dim3A_198 : f32 to vector<7680x32xf32>
    %roll3A_200 = arith.constant 1 : i32
    %roll3A_201 = tpu.dynamic_rotate %convert_element_type3A_197 by %roll3A_200 dim 1 : vector<32x8960xbf16>, i32 -> vector<32x8960xbf16>
    %slice3A_202 = vector.extract_strided_slice %roll3A_201 {offsets = [0, 0], sizes = [32, 7680], strides = [1, 1]} : vector<32x8960xbf16> to vector<32x7680xbf16>
    %get3A_203 = arith.constant 0 : index
    %get3A_204 = arith.constant 0 : index
    %get3A_205 = arith.constant 0 : index
    %get3A_206 = vector.load %arg3[%get3A_203, %get3A_204, %get3A_205] : memref<9x32x32xbf16, #tpu.memory_space<vmem>>, vector<1x32x32xbf16>
    %get3A_207 = vector.shape_cast %get3A_206 : vector<1x32x32xbf16> to vector<32x32xbf16>
    %dot_general3A_208 = arith.constant dense<0.000000e+00> : vector<7680x32xf32>
    %dot_general3A_209 = tpu.matmul %slice3A_202, %get3A_207, %dot_general3A_208 {dimension_numbers = #tpu.dot_dimension_numbers<[0], [0], [1], [1], [0, 1, 1, 1], [], []>, transpose_lhs_hint = false} : vector<32x7680xbf16>, vector<32x32xbf16>, vector<7680x32xf32> -> vector<7680x32xf32>
    %add3A_210 = arith.addf %broadcast_in_dim3A_199, %dot_general3A_209 : vector<7680x32xf32>
    %slice3A_211 = vector.extract_strided_slice %roll3A_201 {offsets = [0, 640], sizes = [32, 7680], strides = [1, 1]} : vector<32x8960xbf16> to vector<32x7680xbf16>
    %get3A_212 = arith.constant 3 : index
    %get3A_213 = arith.constant 0 : index
    %get3A_214 = arith.constant 0 : index
    %get3A_215 = vector.load %arg3[%get3A_212, %get3A_213, %get3A_214] : memref<9x32x32xbf16, #tpu.memory_space<vmem>>, vector<1x32x32xbf16>
    %get3A_216 = vector.shape_cast %get3A_215 : vector<1x32x32xbf16> to vector<32x32xbf16>
    %dot_general3A_217 = arith.constant dense<0.000000e+00> : vector<7680x32xf32>
    %dot_general3A_218 = tpu.matmul %slice3A_211, %get3A_216, %dot_general3A_217 {dimension_numbers = #tpu.dot_dimension_numbers<[0], [0], [1], [1], [0, 1, 1, 1], [], []>, transpose_lhs_hint = false} : vector<32x7680xbf16>, vector<32x32xbf16>, vector<7680x32xf32> -> vector<7680x32xf32>
    %add3A_219 = arith.addf %add3A_210, %dot_general3A_218 : vector<7680x32xf32>
    %slice3A_220 = vector.extract_strided_slice %roll3A_201 {offsets = [0, 1280], sizes = [32, 7680], strides = [1, 1]} : vector<32x8960xbf16> to vector<32x7680xbf16>
    %get3A_221 = arith.constant 6 : index
    %get3A_222 = arith.constant 0 : index
    %get3A_223 = arith.constant 0 : index
    %get3A_224 = vector.load %arg3[%get3A_221, %get3A_222, %get3A_223] : memref<9x32x32xbf16, #tpu.memory_space<vmem>>, vector<1x32x32xbf16>
    %get3A_225 = vector.shape_cast %get3A_224 : vector<1x32x32xbf16> to vector<32x32xbf16>
    %dot_general3A_226 = arith.constant dense<0.000000e+00> : vector<7680x32xf32>
    %dot_general3A_227 = tpu.matmul %slice3A_220, %get3A_225, %dot_general3A_226 {dimension_numbers = #tpu.dot_dimension_numbers<[0], [0], [1], [1], [0, 1, 1, 1], [], []>, transpose_lhs_hint = false} : vector<32x7680xbf16>, vector<32x32xbf16>, vector<7680x32xf32> -> vector<7680x32xf32>
    %add3A_228 = arith.addf %add3A_219, %dot_general3A_227 : vector<7680x32xf32>
    %slice3A_229 = vector.extract_strided_slice %convert_element_type3A_197 {offsets = [0, 0], sizes = [32, 7680], strides = [1, 1]} : vector<32x8960xbf16> to vector<32x7680xbf16>
    %get3A_230 = arith.constant 1 : index
    %get3A_231 = arith.constant 0 : index
    %get3A_232 = arith.constant 0 : index
    %get3A_233 = vector.load %arg3[%get3A_230, %get3A_231, %get3A_232] : memref<9x32x32xbf16, #tpu.memory_space<vmem>>, vector<1x32x32xbf16>
    %get3A_234 = vector.shape_cast %get3A_233 : vector<1x32x32xbf16> to vector<32x32xbf16>
    %dot_general3A_235 = arith.constant dense<0.000000e+00> : vector<7680x32xf32>
    %dot_general3A_236 = tpu.matmul %slice3A_229, %get3A_234, %dot_general3A_235 {dimension_numbers = #tpu.dot_dimension_numbers<[0], [0], [1], [1], [0, 1, 1, 1], [], []>, transpose_lhs_hint = false} : vector<32x7680xbf16>, vector<32x32xbf16>, vector<7680x32xf32> -> vector<7680x32xf32>
    %add3A_237 = arith.addf %add3A_228, %dot_general3A_236 : vector<7680x32xf32>
    %slice3A_238 = vector.extract_strided_slice %convert_element_type3A_197 {offsets = [0, 640], sizes = [32, 7680], strides = [1, 1]} : vector<32x8960xbf16> to vector<32x7680xbf16>
    %get3A_239 = arith.constant 4 : index
    %get3A_240 = arith.constant 0 : index
    %get3A_241 = arith.constant 0 : index
    %get3A_242 = vector.load %arg3[%get3A_239, %get3A_240, %get3A_241] : memref<9x32x32xbf16, #tpu.memory_space<vmem>>, vector<1x32x32xbf16>
    %get3A_243 = vector.shape_cast %get3A_242 : vector<1x32x32xbf16> to vector<32x32xbf16>
    %dot_general3A_244 = arith.constant dense<0.000000e+00> : vector<7680x32xf32>
    %dot_general3A_245 = tpu.matmul %slice3A_238, %get3A_243, %dot_general3A_244 {dimension_numbers = #tpu.dot_dimension_numbers<[0], [0], [1], [1], [0, 1, 1, 1], [], []>, transpose_lhs_hint = false} : vector<32x7680xbf16>, vector<32x32xbf16>, vector<7680x32xf32> -> vector<7680x32xf32>
    %add3A_246 = arith.addf %add3A_237, %dot_general3A_245 : vector<7680x32xf32>
    %slice3A_247 = vector.extract_strided_slice %convert_element_type3A_197 {offsets = [0, 1280], sizes = [32, 7680], strides = [1, 1]} : vector<32x8960xbf16> to vector<32x7680xbf16>
    %get3A_248 = arith.constant 7 : index
    %get3A_249 = arith.constant 0 : index
    %get3A_250 = arith.constant 0 : index
    %get3A_251 = vector.load %arg3[%get3A_248, %get3A_249, %get3A_250] : memref<9x32x32xbf16, #tpu.memory_space<vmem>>, vector<1x32x32xbf16>
    %get3A_252 = vector.shape_cast %get3A_251 : vector<1x32x32xbf16> to vector<32x32xbf16>
    %dot_general3A_253 = arith.constant dense<0.000000e+00> : vector<7680x32xf32>
    %dot_general3A_254 = tpu.matmul %slice3A_247, %get3A_252, %dot_general3A_253 {dimension_numbers = #tpu.dot_dimension_numbers<[0], [0], [1], [1], [0, 1, 1, 1], [], []>, transpose_lhs_hint = false} : vector<32x7680xbf16>, vector<32x32xbf16>, vector<7680x32xf32> -> vector<7680x32xf32>
    %add3A_255 = arith.addf %add3A_246, %dot_general3A_254 : vector<7680x32xf32>
    %roll3A_256 = arith.constant 8959 : i32
    %roll3A_257 = tpu.dynamic_rotate %convert_element_type3A_197 by %roll3A_256 dim 1 : vector<32x8960xbf16>, i32 -> vector<32x8960xbf16>
    %slice3A_258 = vector.extract_strided_slice %roll3A_257 {offsets = [0, 0], sizes = [32, 7680], strides = [1, 1]} : vector<32x8960xbf16> to vector<32x7680xbf16>
    %get3A_259 = arith.constant 2 : index
    %get3A_260 = arith.constant 0 : index
    %get3A_261 = arith.constant 0 : index
    %get3A_262 = vector.load %arg3[%get3A_259, %get3A_260, %get3A_261] : memref<9x32x32xbf16, #tpu.memory_space<vmem>>, vector<1x32x32xbf16>
    %get3A_263 = vector.shape_cast %get3A_262 : vector<1x32x32xbf16> to vector<32x32xbf16>
    %dot_general3A_264 = arith.constant dense<0.000000e+00> : vector<7680x32xf32>
    %dot_general3A_265 = tpu.matmul %slice3A_258, %get3A_263, %dot_general3A_264 {dimension_numbers = #tpu.dot_dimension_numbers<[0], [0], [1], [1], [0, 1, 1, 1], [], []>, transpose_lhs_hint = false} : vector<32x7680xbf16>, vector<32x32xbf16>, vector<7680x32xf32> -> vector<7680x32xf32>
    %add3A_266 = arith.addf %add3A_255, %dot_general3A_265 : vector<7680x32xf32>
    %slice3A_267 = vector.extract_strided_slice %roll3A_257 {offsets = [0, 640], sizes = [32, 7680], strides = [1, 1]} : vector<32x8960xbf16> to vector<32x7680xbf16>
    %get3A_268 = arith.constant 5 : index
    %get3A_269 = arith.constant 0 : index
    %get3A_270 = arith.constant 0 : index
    %get3A_271 = vector.load %arg3[%get3A_268, %get3A_269, %get3A_270] : memref<9x32x32xbf16, #tpu.memory_space<vmem>>, vector<1x32x32xbf16>
    %get3A_272 = vector.shape_cast %get3A_271 : vector<1x32x32xbf16> to vector<32x32xbf16>
    %dot_general3A_273 = arith.constant dense<0.000000e+00> : vector<7680x32xf32>
    %dot_general3A_274 = tpu.matmul %slice3A_267, %get3A_272, %dot_general3A_273 {dimension_numbers = #tpu.dot_dimension_numbers<[0], [0], [1], [1], [0, 1, 1, 1], [], []>, transpose_lhs_hint = false} : vector<32x7680xbf16>, vector<32x32xbf16>, vector<7680x32xf32> -> vector<7680x32xf32>
    %add3A_275 = arith.addf %add3A_266, %dot_general3A_274 : vector<7680x32xf32>
    %slice3A_276 = vector.extract_strided_slice %roll3A_257 {offsets = [0, 1280], sizes = [32, 7680], strides = [1, 1]} : vector<32x8960xbf16> to vector<32x7680xbf16>
    %get3A_277 = arith.constant 8 : index
    %get3A_278 = arith.constant 0 : index
    %get3A_279 = arith.constant 0 : index
    %get3A_280 = vector.load %arg3[%get3A_277, %get3A_278, %get3A_279] : memref<9x32x32xbf16, #tpu.memory_space<vmem>>, vector<1x32x32xbf16>
    %get3A_281 = vector.shape_cast %get3A_280 : vector<1x32x32xbf16> to vector<32x32xbf16>
    %dot_general3A_282 = arith.constant dense<0.000000e+00> : vector<7680x32xf32>
    %dot_general3A_283 = tpu.matmul %slice3A_276, %get3A_281, %dot_general3A_282 {dimension_numbers = #tpu.dot_dimension_numbers<[0], [0], [1], [1], [0, 1, 1, 1], [], []>, transpose_lhs_hint = false} : vector<32x7680xbf16>, vector<32x32xbf16>, vector<7680x32xf32> -> vector<7680x32xf32>
    %add3A_284 = arith.addf %add3A_275, %dot_general3A_283 : vector<7680x32xf32>
    %get3A_285 = arith.constant 1 : index
    %get3A_286 = arith.constant 0 : index
    %get3A_287 = vector.load %arg5[%get3A_285, %get3A_286] : memref<2x32xf32, #tpu.memory_space<vmem>>, vector<1x32xf32>
    %get3A_288 = vector.shape_cast %get3A_287 : vector<1x32xf32> to vector<32xf32>
    %broadcast_in_dim3A_289 = vector.shape_cast %get3A_288 : vector<32xf32> to vector<1x32xf32>
    %add3A_290 = vector.broadcast %broadcast_in_dim3A_289 : vector<1x32xf32> to vector<7680x32xf32>
    %add3A_291 = arith.addf %add3A_284, %add3A_290 : vector<7680x32xf32>
    %ge3A_292 = arith.constant 0.000000e+00 : f32
    %ge3A_293 = vector.broadcast %ge3A_292 : f32 to vector<7680x32xf32>
    %ge3A_294 = arith.cmpf oge, %add3A_291, %ge3A_293 : vector<7680x32xf32>
    %mul3A_295 = vector.broadcast %get3A_32 : f32 to vector<7680x32xf32>
    %mul3A_296 = arith.mulf %mul3A_295, %add3A_291 : vector<7680x32xf32>
    %select_n3A_297 = arith.select %ge3A_294, %add3A_291, %mul3A_296 : vector<7680x32xi1>, vector<7680x32xf32>
    %iota3A_298 = tpu.iota {dimensions = array<i32: 0>} : vector<7680x32xi32>
    %jit3A_299 = arith.constant 640 : i32
    %eq3A_300 = arith.constant 0 : i32
    %eq3A_301 = arith.cmpi eq, %jit3A_299, %eq3A_300 : i32
    %jit3A_302 = arith.constant 1 : i32
    %select_n3A_303 = arith.select %eq3A_301, %jit3A_302, %jit3A_299 : i32
    %rem3A_304 = vector.broadcast %select_n3A_303 : i32 to vector<7680x32xi32>
    %rem3A_305 = arith.remsi %iota3A_298, %rem3A_304 : vector<7680x32xi32>
    %ne3A_306 = arith.constant 0 : i32
    %ne3A_307 = vector.broadcast %ne3A_306 : i32 to vector<7680x32xi32>
    %ne3A_308 = arith.cmpi ne, %rem3A_305, %ne3A_307 : vector<7680x32xi32>
    %lt3A_309 = arith.constant 0 : i32
    %lt3A_310 = vector.broadcast %lt3A_309 : i32 to vector<7680x32xi32>
    %lt3A_311 = arith.cmpi slt, %rem3A_305, %lt3A_310 : vector<7680x32xi32>
    %lt3A_312 = arith.constant 0 : i32
    %lt3A_313 = arith.cmpi slt, %select_n3A_303, %lt3A_312 : i32
    %ne3A_314 = vector.broadcast %lt3A_313 : i1 to vector<7680x32xi1>
    %ne3A_315 = vector.broadcast %ne3A_314 : vector<7680x32xi1> to vector<7680x32xi1>
    %ne3A_316 = arith.xori %lt3A_311, %ne3A_315 : vector<7680x32xi1>
    %and3A_317 = arith.andi %ne3A_316, %ne3A_308 : vector<7680x32xi1>
    %add3A_318 = vector.broadcast %select_n3A_303 : i32 to vector<7680x32xi32>
    %add3A_319 = arith.addi %rem3A_305, %add3A_318 : vector<7680x32xi32>
    %select_n3A_320 = arith.select %and3A_317, %add3A_319, %rem3A_305 : vector<7680x32xi1>, vector<7680x32xi32>
    %ge3A_321 = arith.constant 8 : i32
    %ge3A_322 = vector.broadcast %ge3A_321 : i32 to vector<7680x32xi32>
    %ge3A_323 = arith.cmpi sge, %select_n3A_320, %ge3A_322 : vector<7680x32xi32>
    %lt3A_324 = arith.constant 392 : i32
    %lt3A_325 = vector.broadcast %lt3A_324 : i32 to vector<7680x32xi32>
    %lt3A_326 = arith.cmpi slt, %select_n3A_320, %lt3A_325 : vector<7680x32xi32>
    %and3A_327 = arith.andi %ge3A_323, %lt3A_326 : vector<7680x32xi1>
    %jit3A_328 = arith.constant 0.000000e+00 : f32
    %broadcast_in_dim3A_329 = vector.broadcast %jit3A_328 : f32 to vector<7680x32xf32>
    %select_n3A_330 = arith.select %and3A_327, %select_n3A_297, %broadcast_in_dim3A_329 : vector<7680x32xi1>, vector<7680x32xf32>
    %swap3A = arith.constant 0 : index
    %swap3A_331 = arith.constant 0 : index
    %swap3A_332 = vector.load %arg6[%swap3A, %swap3A_331] : memref<7680x32xf32, #tpu.memory_space<vmem>>, vector<7680x32xf32>
    tpu.vector_store %arg6[%swap3A, %swap3A_331], %select_n3A_330 {strides = array<i32>} : memref<7680x32xf32, #tpu.memory_space<vmem>>, vector<7680x32xf32>,
    return
  }
  func.func @transform_1(%arg0: i32) -> (i32, i32, i32) {
    %c0_i32 = arith.constant 0 : i32
    %c0_i32_0 = arith.constant 0 : i32
    %c0_i32_1 = arith.constant 0 : i32
    %c0_i32_2 = arith.constant 0 : i32
    return %c0_i32, %c0_i32_0, %c0_i32_1 : i32, i32, i32
  }
  func.func @transform_2(%arg0: i32) -> (i32, i32, i32) {
    %c0_i32 = arith.constant 0 : i32
    %c0_i32_0 = arith.constant 0 : i32
    %c0_i32_1 = arith.constant 0 : i32
    %c0_i32_2 = arith.constant 0 : i32
    return %c0_i32, %c0_i32_0, %c0_i32_1 : i32, i32, i32
  }
  func.func @transform_3(%arg0: i32) -> i32 {
    %c0_i32 = arith.constant 0 : i32
    %c0_i32_0 = arith.constant 0 : i32
    return %c0_i32 : i32
  }
  func.func @transform_4(%arg0: i32) -> (i32, i32) {
    %c0_i32 = arith.constant 0 : i32
    %c0_i32_0 = arith.constant 0 : i32
    %c0_i32_1 = arith.constant 0 : i32
    return %c0_i32, %c0_i32_0 : i32, i32
  }
  func.func @transform_5(%arg0: i32) -> (i32, i32) {
    %c0_i32 = arith.constant 0 : i32
    %c0_i32_0 = arith.constant 0 : i32
    return %arg0, %c0_i32 : i32, i32
  }
}

module attributes {stable_mosaic.version = 14 : i64} {
  func.func @_k3_body(%arg0: i32, %arg1: memref<288xi32, #tpu.memory_space<smem>>, %arg2: memref<288xi32, #tpu.memory_space<smem>>, %arg3: memref<1x512x1xi32, #tpu.memory_space<vmem>>, %arg4: memref<512x288xf32, #tpu.memory_space<vmem>>, %arg5: memref<512x32xf32, #tpu.memory_space<vmem>>, %arg6: memref<216x288x32xbf16, #tpu.memory_space<vmem>>, %arg7: memref<216x1x32xf32, #tpu.memory_space<vmem>>, %arg8: memref<512x32xf32, #tpu.memory_space<vmem>>) attributes {dimension_semantics = [#tpu.dimension_semantics<arbitrary>], iteration_bounds = array<i64: 288>, scalar_prefetch = 2 : i64, scratch_operands = 0 : i64, tpu.core_type = #tpu.core_type<tc>, window_params = [{transform_indices = @transform_0, window_bounds = array<i64: 1, 512, 1>}, {transform_indices = @transform_1, window_bounds = array<i64: 512, 288>}, {transform_indices = @transform_2, window_bounds = array<i64: 512, 32>}, {pipeline_mode = #tpu.pipeline_mode<synchronous>, transform_indices = @transform_3, window_bounds = array<i64: 216, 288, 32>}, {pipeline_mode = #tpu.pipeline_mode<synchronous>, transform_indices = @transform_4, window_bounds = array<i64: 216, 1, 32>}, {transform_indices = @transform_5, window_bounds = array<i64: 512, 32>}]} {
    %get3A = arith.index_cast %arg0 : i32 to index
    %get3A_0 = memref.load %arg1[%get3A] : memref<288xi32, #tpu.memory_space<smem>>
    %get3A_1 = arith.index_cast %arg0 : i32 to index
    %get3A_2 = memref.load %arg2[%get3A_1] : memref<288xi32, #tpu.memory_space<smem>>
    %get3A_3 = arith.constant 0 : index
    %get3A_4 = arith.constant 0 : index
    %get3A_5 = vector.load %arg4[%get3A_3, %get3A_4] : memref<512x288xf32, #tpu.memory_space<vmem>>, vector<512x288xf32>
    %convert_element_type3A = arith.truncf %get3A_5 : vector<512x288xf32> to vector<512x288xbf16>
    %get3A_6 = arith.constant 0 : index
    %get3A_7 = arith.constant 0 : index
    %get3A_8 = vector.load %arg5[%get3A_6, %get3A_7] : memref<512x32xf32, #tpu.memory_space<vmem>>, vector<512x32xf32>
    %get3A_9 = arith.constant 0 : index
    %get3A_10 = arith.constant 0 : index
    %get3A_11 = arith.constant 0 : index
    %get3A_12 = vector.load %arg3[%get3A_9, %get3A_10, %get3A_11] : memref<1x512x1xi32, #tpu.memory_space<vmem>>, vector<1x512x1xi32>
    %get3A_13 = vector.shape_cast %get3A_12 : vector<1x512x1xi32> to vector<512x1xi32>
    %add3A = arith.constant 1 : i32
    %add3A_14 = arith.addi %get3A_2, %add3A : i32
    %broadcast_in_dim3A = arith.constant 0.000000e+00 : f32
    %broadcast_in_dim3A_15 = vector.broadcast %broadcast_in_dim3A : f32 to vector<512x32xf32>
    %while3A = arith.subi %add3A_14, %get3A_0 : i32
    %while3A_16 = arith.addi %get3A_0, %while3A : i32
    %while3A_17 = arith.constant 1 : i32
    %while3A_18 = arith.divsi %while3A, %while3A_17 : i32
    %while3A_19 = arith.muli %while3A_18, %while3A_17 : i32
    %while3A_20 = arith.addi %get3A_0, %while3A_19 : i32
    %while3A_21 = arith.constant 1 : i32
    %while3A_22 = scf.for %while3A_27 = %get3A_0 to %while3A_20 step %while3A_21 iter_args(%while3A_28 = %broadcast_in_dim3A_15) -> (vector<512x32xf32>)  : i32 {
      %get3A_29 = arith.index_cast %while3A_27 : i32 to index
      %get3A_30 = arith.constant 0 : index
      %get3A_31 = arith.constant 0 : index
      %get3A_32 = vector.load %arg6[%get3A_29, %get3A_30, %get3A_31] : memref<216x288x32xbf16, #tpu.memory_space<vmem>>, vector<1x288x32xbf16>
      %get3A_33 = vector.shape_cast %get3A_32 : vector<1x288x32xbf16> to vector<288x32xbf16>
      %dot_general3A = arith.constant dense<0.000000e+00> : vector<512x32xf32>
      %dot_general3A_34 = tpu.matmul %convert_element_type3A, %get3A_33, %dot_general3A {dimension_numbers = #tpu.dot_dimension_numbers<[1], [0], [0], [1], [0, 0, 1, 1], [], []>, transpose_lhs_hint = false} : vector<512x288xbf16>, vector<288x32xbf16>, vector<512x32xf32> -> vector<512x32xf32>
      %get3A_35 = arith.index_cast %while3A_27 : i32 to index
      %get3A_36 = arith.constant 0 : index
      %get3A_37 = arith.constant 0 : index
      %get3A_38 = vector.load %arg7[%get3A_35, %get3A_36, %get3A_37] : memref<216x1x32xf32, #tpu.memory_space<vmem>>, vector<1x1x32xf32>
      %get3A_39 = vector.shape_cast %get3A_38 : vector<1x1x32xf32> to vector<1x32xf32>
      %add3A_40 = vector.broadcast %get3A_39 : vector<1x32xf32> to vector<512x32xf32>
      %add3A_41 = arith.addf %dot_general3A_34, %add3A_40 : vector<512x32xf32>
      %add3A_42 = arith.addf %add3A_41, %get3A_8 : vector<512x32xf32>
      %eq3A = vector.broadcast %while3A_27 : i32 to vector<512x1xi32>
      %eq3A_43 = arith.cmpi eq, %get3A_13, %eq3A : vector<512x1xi32>
      %broadcast_in_dim3A_44 = vector.shape_cast %eq3A_43 : vector<512x1xi1> to vector<512x1xi1>
      %broadcast_in_dim3A_45 = vector.broadcast %broadcast_in_dim3A_44 : vector<512x1xi1> to vector<512x32xi1>
      %select_n3A = arith.select %broadcast_in_dim3A_45, %add3A_42, %while3A_28 : vector<512x32xi1>, vector<512x32xf32>
      scf.yield %select_n3A : vector<512x32xf32>
    }
    %while3A_23 = arith.constant 1 : i32
    %while3A_24 = scf.for %while3A_27 = %while3A_20 to %while3A_16 step %while3A_23 iter_args(%while3A_28 = %while3A_22) -> (vector<512x32xf32>)  : i32 {
      %get3A_29 = arith.index_cast %while3A_27 : i32 to index
      %get3A_30 = arith.constant 0 : index
      %get3A_31 = arith.constant 0 : index
      %get3A_32 = vector.load %arg6[%get3A_29, %get3A_30, %get3A_31] : memref<216x288x32xbf16, #tpu.memory_space<vmem>>, vector<1x288x32xbf16>
      %get3A_33 = vector.shape_cast %get3A_32 : vector<1x288x32xbf16> to vector<288x32xbf16>
      %dot_general3A = arith.constant dense<0.000000e+00> : vector<512x32xf32>
      %dot_general3A_34 = tpu.matmul %convert_element_type3A, %get3A_33, %dot_general3A {dimension_numbers = #tpu.dot_dimension_numbers<[1], [0], [0], [1], [0, 0, 1, 1], [], []>, transpose_lhs_hint = false} : vector<512x288xbf16>, vector<288x32xbf16>, vector<512x32xf32> -> vector<512x32xf32>
      %get3A_35 = arith.index_cast %while3A_27 : i32 to index
      %get3A_36 = arith.constant 0 : index
      %get3A_37 = arith.constant 0 : index
      %get3A_38 = vector.load %arg7[%get3A_35, %get3A_36, %get3A_37] : memref<216x1x32xf32, #tpu.memory_space<vmem>>, vector<1x1x32xf32>
      %get3A_39 = vector.shape_cast %get3A_38 : vector<1x1x32xf32> to vector<1x32xf32>
      %add3A_40 = vector.broadcast %get3A_39 : vector<1x32xf32> to vector<512x32xf32>
      %add3A_41 = arith.addf %dot_general3A_34, %add3A_40 : vector<512x32xf32>
      %add3A_42 = arith.addf %add3A_41, %get3A_8 : vector<512x32xf32>
      %eq3A = vector.broadcast %while3A_27 : i32 to vector<512x1xi32>
      %eq3A_43 = arith.cmpi eq, %get3A_13, %eq3A : vector<512x1xi32>
      %broadcast_in_dim3A_44 = vector.shape_cast %eq3A_43 : vector<512x1xi1> to vector<512x1xi1>
      %broadcast_in_dim3A_45 = vector.broadcast %broadcast_in_dim3A_44 : vector<512x1xi1> to vector<512x32xi1>
      %select_n3A = arith.select %broadcast_in_dim3A_45, %add3A_42, %while3A_28 : vector<512x32xi1>, vector<512x32xf32>
      scf.yield %select_n3A : vector<512x32xf32>
    }
    %swap3A = arith.constant 0 : index
    %swap3A_25 = arith.constant 0 : index
    %swap3A_26 = vector.load %arg8[%swap3A, %swap3A_25] : memref<512x32xf32, #tpu.memory_space<vmem>>, vector<512x32xf32>
    tpu.vector_store %arg8[%swap3A, %swap3A_25], %while3A_24 {strides = array<i32>} : memref<512x32xf32, #tpu.memory_space<vmem>>, vector<512x32xf32>,
    return
  }
  func.func @transform_0(%arg0: i32, %arg1: memref<288xi32, #tpu.memory_space<smem>>, %arg2: memref<288xi32, #tpu.memory_space<smem>>) -> (i32, i32, i32) {
    %c0_i32 = arith.constant 0 : i32
    %c0_i32_0 = arith.constant 0 : i32
    %c0_i32_1 = arith.constant 0 : i32
    return %arg0, %c0_i32, %c0_i32_0 : i32, i32, i32
  }
  func.func @transform_1(%arg0: i32, %arg1: memref<288xi32, #tpu.memory_space<smem>>, %arg2: memref<288xi32, #tpu.memory_space<smem>>) -> (i32, i32) {
    %c0_i32 = arith.constant 0 : i32
    %c0_i32_0 = arith.constant 0 : i32
    return %arg0, %c0_i32 : i32, i32
  }
  func.func @transform_2(%arg0: i32, %arg1: memref<288xi32, #tpu.memory_space<smem>>, %arg2: memref<288xi32, #tpu.memory_space<smem>>) -> (i32, i32) {
    %c0_i32 = arith.constant 0 : i32
    %c0_i32_0 = arith.constant 0 : i32
    return %arg0, %c0_i32 : i32, i32
  }
  func.func @transform_3(%arg0: i32, %arg1: memref<288xi32, #tpu.memory_space<smem>>, %arg2: memref<288xi32, #tpu.memory_space<smem>>) -> (i32, i32, i32) {
    %c0_i32 = arith.constant 0 : i32
    %c0_i32_0 = arith.constant 0 : i32
    %c0_i32_1 = arith.constant 0 : i32
    %c0_i32_2 = arith.constant 0 : i32
    return %c0_i32, %c0_i32_0, %c0_i32_1 : i32, i32, i32
  }
  func.func @transform_4(%arg0: i32, %arg1: memref<288xi32, #tpu.memory_space<smem>>, %arg2: memref<288xi32, #tpu.memory_space<smem>>) -> (i32, i32, i32) {
    %c0_i32 = arith.constant 0 : i32
    %c0_i32_0 = arith.constant 0 : i32
    %c0_i32_1 = arith.constant 0 : i32
    %c0_i32_2 = arith.constant 0 : i32
    return %c0_i32, %c0_i32_0, %c0_i32_1 : i32, i32, i32
  }
  func.func @transform_5(%arg0: i32, %arg1: memref<288xi32, #tpu.memory_space<smem>>, %arg2: memref<288xi32, #tpu.memory_space<smem>>) -> (i32, i32) {
    %c0_i32 = arith.constant 0 : i32
    %c0_i32_0 = arith.constant 0 : i32
    return %arg0, %c0_i32 : i32, i32
  }
}

</mosaic_0001>

<sc_bundles>
// kernel: kernel.6.cloned.1.call-start
scs
__scs_entry_jumppad:
0x0: {  	(pc) =	sbr.rel $0x88, $3  }
0x1: {  	(tag) =	ssettag $0x0;
	lr =	simm.s32 $0x1  }
0x2: {  	[smem:$0x3F98] =	sst lr;
	_ =	strace $0xD0000000  }
0x3: {  	_ = 	snop  }
0x4: {  	_ = 	snop  }
0x5: {  	_ = 	snop  }
0x6: {  	_ = 	snop  }
0x7: {  	_ = 	snop  }
__scs_overlays_trampoline_lowered:
0x8: {  	[smem:$0x3FA7] =	sst s0  }
0x9: {  	[smem:$0x3FA8] =	sst s1  }
0xa: {  	[smem:$0x3FA9] =	sst s2  }
0xb: {  	[smem:$0x3FAA] =	sst s3  }
0xc: {  	[smem:$0x3FAB] =	sst s4  }
0xd: {  	[smem:$0x3FAC] =	sst s5  }
0xe: {  	[smem:$0x3FAD] =	sst s6  }
0xf: {  	[smem:$0x3FAE] =	sst s7  }
0x10: {  	[smem:$0x3FAF] =	sst s8  }
0x11: {  	[smem:$0x3FB0] =	sst s9;
	s0 =	simm.s32 @!p0 $0x0  }
0x12: {  	s1 =	sld [smem:$0x3F96];
	s0 =	simm.s32 @p0 $0x1  }
0x13: {  	[smem:$0x3FB1] =	sst s0;
	s0 =	simm.s32 @!p1 $0x0  }
0x14: {  	s2 =	sld [smem:$0x3F95];
	s0 =	simm.s32 @p1 $0x1  }
0x15: {  	[smem:$0x3FB2] =	sst s0;
	s0 =	simm.s32 @!p2 $0x0  }
0x16: {  	s3 =	sld [smem:$0x3FDB];
	s0 =	simm.s32 @p2 $0x1  }
0x17: {  	s4 =	simm.s32 $0x1BF5;
	[smem:$0x3FB4] =	sst s0  }
0x18: {  	s0 =	sld [smem:$0x3F97];
	_ =	swait.ge [sflag:s4], $0x0  }
0x19: {  	s7 =	sld [smem:$0x3F98]  }
0x1a: {  	s8 =	sadd.s32 $0xFFFFE003, lr  }
0x1b: {  	s9 =	sadd.s32 $0xFFFFFEF7, lr;
	s5 =	simm.s32 $0xFFFFFFFF;
	p2 =	slt.u32 s8, $0xFFFFF086  }
0x1c: {  	p1 =	slt.u32 s9, $0xF7A;
	s5 =	simm.s32 @!p2 $0x0  }
0x1d: {  	s5 =	simm.s32 @p1 $0x1;
	p0 =	seq.s32 s7, s2  }
0x1e: {  	s7 =	smul.u32 @!p0 $0xF7A, s2;
	p2 =	seq.s32 @!p0 s5, $0x0  }
0x1f: {  	s9 =	smul.u32 $0xF7A, s1;
	s8 =	simm.s32 @!p0 $0x1BF5;
	p2 =	por !p2, p0  }
0x20: {  	[sflag:s8] =	ssyncset.s32 @!p0 $0xFFFFF086;
	s6 =	sadd.s32 @!p0 s3, s7;
	s7 =	simm.s32 @!p0 $0x108  }
0x21: {  	s3 =	sadd.s32 s3, s9;
	s6 =	sadd.s32 @!p0 $0x88, s6;
	s7 =	simm.s32 @p2 $0x1082  }
0x22: {  	[simem:s7], [sflag:s8] =	dma.local @!p0 [hbm:s6], $0xF7A  }
0x23: {  	s9 =	sor.u32 $0xD0000000, s2;
	s6 =	simm.s32 $0x108;
	_ =	swait.ge @!p0 [sflag:s8], $0x0  }
0x24: {  	s3 =	sadd.s32 $0x88, s3;
	s6 =	simm.s32 @!p1 $0x1082;
	[sflag:s4] =	ssyncset.s32 $0xFFFFF086  }
0x25: {  	[simem:s6], [sflag:s4] =	dma.local [hbm:s3], $0xF7A  }
0x26: {  	[smem:$0x3F98] =	sst s1;
	(tag) =	ssettag s2;
	_ =	strace s9  }
0x27: {  	s1 =	sld [smem:$0x3FA8]  }
0x28: {  	s2 =	sld [smem:$0x3FA9]  }
0x29: {  	s4 =	sld [smem:$0x3FAB]  }
0x2a: {  	p0 =	seq.s32 s5, $0x0;
	s5 =	sld [smem:$0x3FAC]  }
0x2b: {  	s6 =	sld [smem:$0x3FAD]  }
0x2c: {  	s7 =	sld [smem:$0x3FAE]  }
0x2d: {  	s3 =	simm.s32 $0x108;
	s8 =	sld [smem:$0x3FAF]  }
0x2e: {  	s3 =	simm.s32 @!p0 $0x1082;
	s9 =	sld [smem:$0x3FB0]  }
0x2f: {  	lr =	sadd.s32 s0, s3;
	s0 =	sld [smem:$0x3FA7]  }
0x30: {  	s3 =	sld [smem:$0x3FAA]  }
0x31: {  	[smem:$0x3FB3] =	sst s10  }
0x32: {  	s10 =	sld [smem:$0x3FB1];
	_ =	sdelay $0x3  }
0x33: {  	p0 =	seq.s32 s10, $0x1;
	s10 =	sld [smem:$0x3FB3];
	_ =	sdelay $0x3  }
0x34: {  	[smem:$0x3FB3] =	sst s10  }
0x35: {  	s10 =	sld [smem:$0x3FB2];
	_ =	sdelay $0x3  }
0x36: {  	p1 =	seq.s32 s10, $0x1;
	s10 =	sld [smem:$0x3FB3];
	_ =	sdelay $0x3  }
0x37: {  	[smem:$0x3FB3] =	sst s10  }
0x38: {  	s10 =	sld [smem:$0x3FB4]  }
0x39: {  	_ = 	snop;
	(pc) =	sbr.ind lr, $3  }
0x3a: {  	_ = 	snop  }
0x3b: {  	_ = 	snop  }
0x3c: {  	p2 =	seq.s32 s10, $0x1;
	s10 =	sld [smem:$0x3FB3]  }
0x3d: {  	_ =	shalt  }
0x3e: {  	_ =	shalt  }
0x3f: {  	_ =	shalt  }
0x40: {  	_ =	shalt  }
0x41: {  	_ =	shalt  }
0x42: {  	_ =	shalt  }
0x43: {  	_ =	shalt  }
0x44: {  	_ =	shalt  }
0x45: {  	_ =	shalt  }
0x46: {  	_ =	shalt  }
0x47: {  	_ =	shalt  }
0x48: {  	_ =	shalt  }
0x49: {  	_ =	shalt  }
0x4a: {  	_ =	shalt  }
0x4b: {  	_ =	shalt  }
0x4c: {  	_ =	shalt  }
0x4d: {  	_ =	shalt  }
0x4e: {  	_ =	shalt  }
0x4f: {  	_ =	shalt  }
0x50: {  	_ =	shalt  }
0x51: {  	_ =	shalt  }
0x52: {  	_ =	shalt  }
0x53: {  	_ =	shalt  }
0x54: {  	_ =	shalt  }
0x55: {  	_ =	shalt  }
0x56: {  	_ =	shalt  }
0x57: {  	_ =	shalt  }
0x58: {  	_ =	shalt  }
0x59: {  	_ =	shalt  }
0x5a: {  	_ =	shalt  }
0x5b: {  	_ =	shalt  }
0x5c: {  	_ =	shalt  }
0x5d: {  	_ =	shalt  }
0x5e: {  	_ =	shalt  }
0x5f: {  	_ =	shalt  }
0x60: {  	_ =	shalt  }
0x61: {  	_ =	shalt  }
0x62: {  	_ =	shalt  }
0x63: {  	_ =	shalt  }
0x64: {  	_ =	shalt  }
0x65: {  	_ =	shalt  }
0x66: {  	_ =	shalt  }
0x67: {  	_ =	shalt  }
0x68: {  	_ =	shalt  }
0x69: {  	_ =	shalt  }
0x6a: {  	_ =	shalt  }
0x6b: {  	_ =	shalt  }
0x6c: {  	_ =	shalt  }
0x6d: {  	_ =	shalt  }
0x6e: {  	_ =	shalt  }
0x6f: {  	_ =	shalt  }
0x70: {  	_ =	shalt  }
0x71: {  	_ =	shalt  }
0x72: {  	_ =	shalt  }
0x73: {  	_ =	shalt  }
0x74: {  	_ =	shalt  }
0x75: {  	_ =	shalt  }
0x76: {  	_ =	shalt  }
0x77: {  	_ =	shalt  }
0x78: {  	_ =	shalt  }
0x79: {  	_ =	shalt  }
0x7a: {  	_ =	shalt  }
0x7b: {  	_ =	shalt  }
0x7c: {  	_ =	shalt  }
0x7d: {  	_ =	shalt  }
0x7e: {  	_ =	shalt  }
0x7f: {  	_ =	shalt  }
0x80: {  	_ =	shalt  }
0x81: {  	_ =	shalt  }
0x82: {  	_ =	shalt  }
0x83: {  	_ =	shalt  }
0x84: {  	_ =	shalt  }
0x85: {  	_ =	shalt  }
0x86: {  	_ =	shalt  }
0x87: {  	_ =	shalt  }
.Lfunc_end0:
.L_simem_size_0:
called_computation_lowered:
.L_overlay_start_0:
0x88: {  	s2 =	sld [smem:$0x3FD9]  }
0x89: {  	s3 =	sld [smem:$0x3FFE];
	_ =	sdelay $0x1  }
0x8a: {  	s1 =	srdreg.scid  }
0x8b: {  	s0 =	sand.u32 $0x1, s1  }
0x8c: {  	s17 =	sshll.u32 s0, $0xA;
	s2 =	sadd.s32 s3, s2  }
0x8d: {  	s2 =	sadd.s32 s2, s17  }
0x8e: {  	[smem:$0x3FBF] =	sst s2  }
0x8f: {  	_ = 	snop  }
0x90: {  	s2 =	sld [smem:$0x3FD0];
	(tm) =	ssettm $0x1  }
0x91: {  	s18 =	sld [smem:$0x3FFB];
	_ =	sdelay $0x3  }
0x92: {  	_ =	strace s18  }
0x93: {  	s3 =	sld [smem:$0x3FFC];
	_ =	sdelay $0x3  }
0x94: {  	_ =	strace s3  }
0x95: {  	s3 =	sld [smem:$0x3FFD];
	_ =	sdelay $0x3  }
0x96: {  	_ =	strace s3  }
0x97: {  	_ =	strace $0x8FFFFFFF  }
0x98: {  	s19 =	sld [smem:$0x3FDB];
	_ =	sdelay $0x1  }
0x99: {  	s4 =	simm.s32 $_scs_section_size  }
0x9a: {  	s5 =	simm.s32 $_size__tile_overlayer_lowered;
	s6 =	simm.s32 $_tile_overlayer_lowered  }
0x9b: {  	s22 =	simm.s32 $0x1BFF;
	s21 =	sshll.u32 s6, $0x1;
	s3 =	sadd.s32 s4, s19  }
0x9c: {  	s7 =	simm.s32 $0x0;
	s20 =	sshll.u32 s5, $0x1;
	s5 =	sadd.s32 s21, s3  }
0x9d: {  	[timem:s7], [sflag:s22] =	dma.local [hbm:s5], s20  }
0x9e: {  	_ =	swait.ge [sflag:s22], s20  }
0x9f: {  	s4 =	ssub.s32 $0x0, s20;
	[sflag:s22] =	ssyncset.done $0x0  }
0xa0: {  	[sflag:s22] =	ssyncadd.s32 s4;
	_ =	sdelay $0x1  }
0xa1: {  	s23 =	simm.s32 $0x1B8B  }
0xa2: {  	_ =	swait.ge [sflag:s23], $0x1  }
0xa3: {  	[sflag:s23] =	ssyncset.done $0x0  }
0xa4: {  	s25 =	simm.s32 $0x1B8E;
	s24 =	sld [smem:$0x3FFE];
	[sflag:s23] =	ssyncadd.s32 $0xFFFFFFFF  }
0xa5: {  	s26 =	simm.s32 $execute0_lowered;
	[smem:$0x3FD2] =	sst s25  }
0xa6: {  	s5 =	sshll.u32 s26, $0x1;
	_ =	strace $0x80000046;
	[dreg:$0x1] =	wrdreg $0xFFFFFFFF  }
0xa7: {  	s28 =	simm.s32 $_size_execute0_lowered;
	s3 =	sadd.s32 s3, s5;
	[dreg:$0x0] =	wrdreg $0x0  }
0xa8: {  	s5 =	sshll.u32 s28, $0x1;
	[dreg:$0x2] =	wrdreg s3  }
0xa9: {  	[dreg:$0x3] =	wrdreg s5  }
0xaa: {  	[dreg:$0x4] =	wrdreg $0xC0  }
0xab: {  	_ =	task [dreg:s7], $0x5FFFF  }
0xac: {  	[dreg:$0x1] =	wrdreg $0xFFFFFFFF  }
0xad: {  	[dreg:$0x0] =	wrdreg $0x60  }
0xae: {  	[dreg:$0x2] =	wrdreg s24  }
0xaf: {  	[dreg:$0x3] =	wrdreg s2  }
0xb0: {  	[dreg:$0x4] =	wrdreg $0x9  }
0xb1: {  	_ =	task.clear_ibuf [dreg:s7], $0x5FFFF;
	_ =	strace $0x90000046  }
0xb2: {  	s29 =	simm.s32 $0x9;
	_ =	strace $0x80000048  }
0xb3: {  	_ =	swait.ge [sflag:s29], $0x1  }
0xb4: {  	[sflag:s29] =	ssyncadd.s32 $0xFFFFFFFF  }
0xb5: {  	_ =	strace $0x90000048  }
0xb6: {  	_ =	sfence  }
0xb7: {  	s30 =	sld [smem:$0x0];
	_ =	sdelay $0x2  }
0xb8: {  	s31 =	sshll.u32 s1, $0xD;
	s1 =	sshrl.u32 s1, $0x2  }
0xb9: {  	s3 =	sand.u32 $0x4000, s31;
	s1 =	sadd.s32 s1, s30  }
0xba: {  	s0 =	sor.u32 s3, s0;
	s1 =	sshll.u32 s1, $0x11  }
0xbb: {  	s0 =	sor.u32 s1, s0  }
0xbc: {  	s0 =	sadd.s32 $0x8F2B, s0  }
0xbd: {  	[sflag:s0] =	ssyncadd.remote.s32 $0x1  }
0xbe: {  	_ =	sfence.sel $0xFFFF  }
0xbf: {  	[dreg:$0x0] =	wrdreg $0xFFFFFFFF;
	(pc) =	sbr.abs _section_cstart, $3  }
0xc0: {  	[dreg:$0x1] =	wrdreg $0xFFFFFFFF  }
0xc1: {  	_ =	task.clear_ibuf [dreg:s7], $0x2FFFF;
	_ =	strace $0x9FFFFFFF  }
0xc2: {  	(tm) =	ssettm $0x7FFFFFFF  }
0xc3: {  	_ =	shalt  }
tec
execute0_lowered:
.L_overlay_start_1:
0x0: {  	(tag) =	ssettag $0x1  }
0x1: {  	s0 =	srdreg.scid;
	s1 =	rddreg [dreg:$0x0]  }
0x2: {  	s16 =	stileid.u32;
	s2 =	rddreg [dreg:$0x1];
	s18 =	simm.s32 $0x3  }
0x3: {  	s19 =	simm.s32 $0x300;
	s20 =	simm.s32 $0xB400;
	s13 =	smul.u32 $0x288, s16  }
0x4: {  	s0 =	sand.u32 $0x1, s0;
	s3 =	sshll.u32 s16, $0x1;
	s16 =	smul.u32 $0x51000, s16  }
0x5: {  	s21 =	simm.s32 $0x11400;
	s22 =	simm.s32 $0x1;
	s14 =	smul.u32 $0x144, s0  }
0x6: {  	s5 =	sor.u32 s0, s3;
	s9 =	ssub.s32 $0x2, s0;
	s0 =	smul.u32 $0x28800, s0  }
0x7: {  	s23 =	simm.s32 $0x4;
	s24 =	simm.s32 $0x2;
	s6 =	smul.u32 $0x1440, s5  }
0x8: {  	s26 =	simm.s32 $0xA200;
	s4 =	sadd.s32 $0x274400, s1;
	s7 =	smul.u32 $0x240, s5  }
0x9: {  	s15 =	sadd.s32 $0x364400, s1;
	s3 =	simm.s32 $0x0;
	s8 =	smul.u32 $0x4800, s5  }
0xa: {  	[smem:$0x7FF] =	sst s3;
	s10 =	sshrl.u32 s9, $0x1;
	s11 =	smul.u32 $0x28800, s5  }
0xb: {  	s16 =	sadd.s32 s16, s15;
	_ =	strace $0x80000047;
	s30 =	ssub.s32 s9, s10  }
0xc: {  	s14 =	sadd.s32 s14, s13;
	s16 =	sadd.s32 s0, s16;
	s0 =	simm.s32 $0x0  }
0xd: {  	s6 =	sadd.s32 s6, s1;
	s7 =	sadd.s32 s7, s1;
	s1 =	sadd.s32 s8, s1  }
0xe: {  	s31 =	sadd.s32 s15, s11;
	s17 =	sshll.u32 s14, $0x9;
	s5 =	sadd.s32 $0x24BC00, s6  }
0xf: {  	s6 =	sadd.s32 $0x7400, s7;
	s7 =	smax.u32 s30, $0x1;
	s8 =	sadd.s32 $0x27000, s31  }
0x10: {  	s9 =	sadd.s32 $0x27C00, s31;
	s10 =	sadd.s32 $0xBC00, s1;
	s11 =	sadd.s32 $0xC800, s1  }
0x11: {  	s12 =	sadd.s32 $0xD400, s1;
	s13 =	sadd.s32 $0xE000, s1;
	s17 =	sadd.s32 s15, s17  }
0x12: {  	s14 =	sadd.s32 $0xEC00, s1;
	s15 =	sadd.s32 $0xF800, s1;
	s17 =	sadd.s32 $0xC00, s17  }
.LBB2_1:
0x13: {  	[tilespmem:s3], [sflag:$0x3] =	stream.linear.gather [hbm4b:s5+s3], $0xA200, $0x38;
	[tilespmem:$0x17400] =	vst v63  }
0x14: {  	_ =	swait.ge [sflag:s18], $0xA200  }
0x15: {  	[sflag:s18] =	ssyncset.done $0x0  }
0x16: {  	[sflag:s18] =	ssyncadd.s32 $0xFFFF5E00  }
0x17: {  	[tilespmem:s20], [sflag:$0x1] =	stream.indirect.gather [hbm4b:s4+s19], $0x20, s3, s19, $0xb8;
	[tilespmem:$0x17400] =	vst v63  }
0x18: {  	s25 =	simm.s32 $0x300  }
0x19: {  	[tilespmem:s21], [sflag:$0x2] =	stream.indirect.gather [hbm4b:s4+s19], $0x20, s25, s19, $0xb8;
	[tilespmem:$0x17400] =	vst v63  }
0x1a: {  	_ =	swait.ge [sflag:s22], $0x6000  }
0x1b: {  	[sflag:s22] =	ssyncset.done $0x0  }
0x1c: {  	s1 =	sadd.s32 $0x0, s16;
	[sflag:s22] =	ssyncadd.s32 $0xFFFFA000  }
0x1d: {  	[hbm4b:s1+s3] =	stream.linear.scatter [tilespmem:s20], [sflag:$0x4], $0x6000, $0x38;
	[tilespmem:$0x17400] =	vst v63  }
0x1e: {  	_ =	swait.ge [sflag:s23], $0x6000  }
0x1f: {  	[sflag:s23] =	ssyncset.done $0x0  }
0x20: {  	s30 =	simm.s32 $0x600;
	[sflag:s23] =	ssyncadd.s32 $0xFFFFA000  }
0x21: {  	[tilespmem:s20], [sflag:$0x1] =	stream.indirect.gather [hbm4b:s4+s19], $0x20, s30, s19, $0xb8;
	[tilespmem:$0x17400] =	vst v63  }
0x22: {  	_ =	swait.ge [sflag:s24], $0x6000  }
0x23: {  	[sflag:s24] =	ssyncset.done $0x0  }
0x24: {  	s31 =	sadd.s32 $0x0, s17;
	[sflag:s24] =	ssyncadd.s32 $0xFFFFA000  }
0x25: {  	[hbm4b:s31+s3] =	stream.linear.scatter [tilespmem:s21], [sflag:$0x3], $0x6000, $0x38;
	[tilespmem:$0x17400] =	vst v63  }
0x26: {  	s29 =	simm.s32 $0x3000;
	_ =	swait.ge [sflag:s18], $0x6000  }
0x27: {  	s28 =	simm.s32 $0x600;
	s25 =	simm.s32 $0x1800;
	[sflag:s18] =	ssyncset.done $0x0  }
.LBB2_2:
0x28: {  	s30 =	sadd.s32 $0x300, s28  }
0x29: {  	[sflag:s18] =	ssyncadd.s32 $0xFFFFA000;
	s31 =	smov.u32 s29;
	s1 =	sadd.s32 $0x1800, s29  }
0x2a: {  	[tilespmem:s21], [sflag:$0x2] =	stream.indirect.gather [hbm4b:s4+s19], $0x20, s30, s19, $0xb8;
	[tilespmem:$0x17400] =	vst v63  }
0x2b: {  	p0 =	sne.s32 s29, $0x25800;
	_ =	swait.ge [sflag:s22], $0x6000  }
0x2c: {  	[sflag:s22] =	ssyncset.done $0x0  }
0x2d: {  	s29 =	sadd.s32 s25, s16;
	[sflag:s22] =	ssyncadd.s32 $0xFFFFA000  }
0x2e: {  	[hbm4b:s29+s3] =	stream.linear.scatter [tilespmem:s20], [sflag:$0x4], $0x6000, $0x38;
	[tilespmem:$0x17400] =	vst v63  }
0x2f: {  	_ =	swait.ge [sflag:s23], $0x6000  }
0x30: {  	[sflag:s23] =	ssyncset.done $0x0  }
0x31: {  	s28 =	sadd.s32 $0x600, s28;
	[sflag:s23] =	ssyncadd.s32 $0xFFFFA000  }
0x32: {  	[tilespmem:s20], [sflag:$0x1] =	stream.indirect.gather [hbm4b:s4+s19], $0x20, s28, s19, $0xb8;
	[tilespmem:$0x17400] =	vst v63  }
0x33: {  	_ =	swait.ge [sflag:s24], $0x6000  }
.Ltmp0:
0x34: {  	[sflag:s24] =	ssyncset.done $0x0;
	(pc) =	sbr.rel @p0 .LBB2_2-.Ltmp0, $4  }
0x35: {  	s28 =	sadd.s32 s25, s17;
	s25 =	smov.u32 s31;
	[sflag:s24] =	ssyncadd.s32 $0xFFFFA000  }
0x36: {  	[hbm4b:s28+s3] =	stream.linear.scatter [tilespmem:s21], [sflag:$0x3], $0x6000, $0x38;
	[tilespmem:$0x17400] =	vst v63  }
0x37: {  	_ =	swait.ge [sflag:s18], $0x6000  }
0x38: {  	s29 =	smov.u32 s1;
	s28 =	sshra.s32 s25, $0x2;
	[sflag:s18] =	ssyncset.done $0x0  }
0x39: {  	s1 =	sadd.s32 $0x300, s28;
	[sflag:s18] =	ssyncadd.s32 $0xFFFFA000  }
0x3a: {  	[tilespmem:s21], [sflag:$0x2] =	stream.indirect.gather [hbm4b:s4+s19], $0x20, s1, s19, $0xb8;
	[tilespmem:$0x17400] =	vst v63  }
0x3b: {  	_ =	swait.ge [sflag:s22], $0x6000  }
0x3c: {  	[sflag:s22] =	ssyncset.done $0x0  }
0x3d: {  	s31 =	sadd.s32 s25, s16;
	[sflag:s22] =	ssyncadd.s32 $0xFFFFA000  }
0x3e: {  	[hbm4b:s31+s3] =	stream.linear.scatter [tilespmem:s20], [sflag:$0x4], $0x6000, $0x38;
	[tilespmem:$0x17400] =	vst v63  }
0x3f: {  	_ =	swait.ge [sflag:s23], $0x6000  }
0x40: {  	[sflag:s23] =	ssyncset.done $0x0  }
0x41: {  	s29 =	sadd.s32 $0x600, s28;
	[sflag:s23] =	ssyncadd.s32 $0xFFFFA000  }
0x42: {  	[tilespmem:s20], [sflag:$0x1] =	stream.indirect.gather [hbm4b:s4+s19], $0x20, s29, s19, $0xb8;
	[tilespmem:$0x17400] =	vst v63  }
0x43: {  	_ =	swait.ge [sflag:s24], $0x6000  }
0x44: {  	[sflag:s24] =	ssyncset.done $0x0  }
0x45: {  	s30 =	sadd.s32 s25, s17;
	[sflag:s24] =	ssyncadd.s32 $0xFFFFA000  }
0x46: {  	[hbm4b:s30+s3] =	stream.linear.scatter [tilespmem:s21], [sflag:$0x3], $0x6000, $0x38;
	[tilespmem:$0x17400] =	vst v63  }
0x47: {  	_ =	swait.ge [sflag:s18], $0x6000  }
0x48: {  	[sflag:s18] =	ssyncset.done $0x0  }
0x49: {  	s31 =	simm.s32 $0x9F00;
	[sflag:s18] =	ssyncadd.s32 $0xFFFFA000  }
0x4a: {  	[tilespmem:s21], [sflag:$0x2] =	stream.indirect.gather [hbm4b:s4+s19], $0x20, s31, s19, $0xb8;
	[tilespmem:$0x17400] =	vst v63  }
0x4b: {  	_ =	swait.ge [sflag:s22], $0x6000  }
0x4c: {  	[sflag:s22] =	ssyncset.done $0x0  }
0x4d: {  	[sflag:s22] =	ssyncadd.s32 $0xFFFFA000  }
0x4e: {  	[hbm4b:s8+s3] =	stream.linear.scatter [tilespmem:s20], [sflag:$0x4], $0x6000, $0x38;
	[tilespmem:$0x17400] =	vst v63  }
0x4f: {  	_ =	swait.ge [sflag:s23], $0x6000  }
0x50: {  	[sflag:s23] =	ssyncset.done $0x0  }
0x51: {  	[sflag:s23] =	ssyncadd.s32 $0xFFFFA000  }
0x52: {  	_ =	swait.ge [sflag:s24], $0x6000  }
0x53: {  	[sflag:s24] =	ssyncset.done $0x0  }
0x54: {  	[sflag:s24] =	ssyncadd.s32 $0xFFFFA000  }
0x55: {  	[hbm4b:s9+s3] =	stream.linear.scatter [tilespmem:s21], [sflag:$0x3], $0x6000, $0x38;
	[tilespmem:$0x17400] =	vst v63  }
0x56: {  	_ =	swait.ge [sflag:s18], $0x6000  }
0x57: {  	[sflag:s18] =	ssyncset.done $0x0  }
0x58: {  	[sflag:s18] =	ssyncadd.s32 $0xFFFFA000  }
0x59: {  	[tilespmem:s26], [sflag:$0x3] =	stream.linear.gather [hbm4b:s6+s3], $0x1200, $0x38;
	[tilespmem:$0x17400] =	vst v63  }
0x5a: {  	_ =	swait.ge [sflag:s18], $0x1200  }
0x5b: {  	[sflag:s18] =	ssyncset.done $0x0  }
0x5c: {  	[sflag:s18] =	ssyncadd.s32 $0xFFFFEE00  }
0x5d: {  	[tilespmem:s20], [sflag:$0x1] =	stream.indirect.gather [hbm4b:s2+s19], $0x20, s26, s19, $0xb8;
	[tilespmem:$0x17400] =	vst v63  }
0x5e: {  	_ =	swait.ge [sflag:s22], $0x6000  }
0x5f: {  	[sflag:s22] =	ssyncset.done $0x0  }
0x60: {  	[sflag:s22] =	ssyncadd.s32 $0xFFFFA000  }
0x61: {  	[hbm4b:s10+s3] =	stream.linear.scatter [tilespmem:s20], [sflag:$0x3], $0x6000, $0x38;
	[tilespmem:$0x17400] =	vst v63  }
0x62: {  	_ =	swait.ge [sflag:s18], $0x6000  }
0x63: {  	[sflag:s18] =	ssyncset.done $0x0  }
0x64: {  	s25 =	simm.s32 $0xA500;
	[sflag:s18] =	ssyncadd.s32 $0xFFFFA000  }
0x65: {  	[tilespmem:s20], [sflag:$0x1] =	stream.indirect.gather [hbm4b:s2+s19], $0x20, s25, s19, $0xb8;
	[tilespmem:$0x17400] =	vst v63  }
0x66: {  	_ =	swait.ge [sflag:s22], $0x6000  }
0x67: {  	[sflag:s22] =	ssyncset.done $0x0  }
0x68: {  	[sflag:s22] =	ssyncadd.s32 $0xFFFFA000  }
0x69: {  	[hbm4b:s11+s3] =	stream.linear.scatter [tilespmem:s20], [sflag:$0x3], $0x6000, $0x38;
	[tilespmem:$0x17400] =	vst v63  }
0x6a: {  	_ =	swait.ge [sflag:s18], $0x6000  }
0x6b: {  	[sflag:s18] =	ssyncset.done $0x0  }
0x6c: {  	s28 =	simm.s32 $0xA800;
	[sflag:s18] =	ssyncadd.s32 $0xFFFFA000  }
0x6d: {  	[tilespmem:s20], [sflag:$0x1] =	stream.indirect.gather [hbm4b:s2+s19], $0x20, s28, s19, $0xb8;
	[tilespmem:$0x17400] =	vst v63  }
0x6e: {  	_ =	swait.ge [sflag:s22], $0x6000  }
0x6f: {  	[sflag:s22] =	ssyncset.done $0x0  }
0x70: {  	[sflag:s22] =	ssyncadd.s32 $0xFFFFA000  }
0x71: {  	[hbm4b:s12+s3] =	stream.linear.scatter [tilespmem:s20], [sflag:$0x3], $0x6000, $0x38;
	[tilespmem:$0x17400] =	vst v63  }
0x72: {  	_ =	swait.ge [sflag:s18], $0x6000  }
0x73: {  	[sflag:s18] =	ssyncset.done $0x0  }
0x74: {  	s29 =	simm.s32 $0xAB00;
	[sflag:s18] =	ssyncadd.s32 $0xFFFFA000  }
0x75: {  	[tilespmem:s20], [sflag:$0x1] =	stream.indirect.gather [hbm4b:s2+s19], $0x20, s29, s19, $0xb8;
	[tilespmem:$0x17400] =	vst v63  }
0x76: {  	_ =	swait.ge [sflag:s22], $0x6000  }
0x77: {  	[sflag:s22] =	ssyncset.done $0x0  }
0x78: {  	[sflag:s22] =	ssyncadd.s32 $0xFFFFA000  }
0x79: {  	[hbm4b:s13+s3] =	stream.linear.scatter [tilespmem:s20], [sflag:$0x3], $0x6000, $0x38;
	[tilespmem:$0x17400] =	vst v63  }
0x7a: {  	_ =	swait.ge [sflag:s18], $0x6000  }
0x7b: {  	[sflag:s18] =	ssyncset.done $0x0  }
0x7c: {  	s30 =	simm.s32 $0xAE00;
	[sflag:s18] =	ssyncadd.s32 $0xFFFFA000  }
0x7d: {  	[tilespmem:s20], [sflag:$0x1] =	stream.indirect.gather [hbm4b:s2+s19], $0x20, s30, s19, $0xb8;
	[tilespmem:$0x17400] =	vst v63  }
0x7e: {  	_ =	swait.ge [sflag:s22], $0x6000  }
0x7f: {  	[sflag:s22] =	ssyncset.done $0x0  }
0x80: {  	[sflag:s22] =	ssyncadd.s32 $0xFFFFA000  }
0x81: {  	[hbm4b:s14+s3] =	stream.linear.scatter [tilespmem:s20], [sflag:$0x3], $0x6000, $0x38;
	[tilespmem:$0x17400] =	vst v63  }
0x82: {  	_ =	swait.ge [sflag:s18], $0x6000  }
0x83: {  	[sflag:s18] =	ssyncset.done $0x0  }
0x84: {  	s31 =	simm.s32 $0xB100;
	[sflag:s18] =	ssyncadd.s32 $0xFFFFA000  }
0x85: {  	[tilespmem:s20], [sflag:$0x1] =	stream.indirect.gather [hbm4b:s2+s19], $0x20, s31, s19, $0xb8;
	[tilespmem:$0x17400] =	vst v63  }
0x86: {  	s0 =	sadd.s32 $0x1, s0;
	_ =	swait.ge [sflag:s22], $0x6000  }
0x87: {  	p0 =	sne.s32 s0, s7;
	[sflag:s22] =	ssyncset.done $0x0  }
.Ltmp1:
0x88: {  	[sflag:s22] =	ssyncadd.s32 $0xFFFFA000;
	(pc) =	sbr.rel @p0 .LBB2_1-.Ltmp1, $4  }
0x89: {  	[hbm4b:s15+s3] =	stream.linear.scatter [tilespmem:s20], [sflag:$0x3], $0x6000, $0x38;
	[tilespmem:$0x17400] =	vst v63  }
0x8a: {  	_ =	swait.ge [sflag:s18], $0x6000  }
0x8b: {  	[sflag:s18] =	ssyncset.done $0x0  }
0x8c: {  	[sflag:s18] =	ssyncadd.s32 $0xFFFFA000  }
0x8d: {  	_ =	sfence.sel $0x180000  }
0x8e: {  	[bflag:$0x0] =	sbarrier.arrive $0xFFFF  }
0x8f: {  	_ =	strace $0x90000047  }
0x90: {  	s0 =	stileid.u32;
	[bflag:$0x2] =	sbarrier.arrive $0xFFFF  }
0x91: {  	p0 =	sne.s32 s0, $0x0;
	s0 =	rddreg [dreg:$0x2]  }
0x92: {  	s0 =	sadd.s32 @!p0 $0x100000, s0  }
0x93: {  	[sflag:s0] =	ssyncadd.tile.s32 @!p0 $0x1;
	_ =	shalt  }
.Lfunc_end2:
_tile_overlayer_lowered:
.L_overlay_start_2:
0x94: {  	(tag) =	ssettag $0x2  }
0x95: {  	s0 =	rddreg [dreg:$0x0];
	s2 =	stileid.u32  }
0x96: {  	s1 =	rddreg [dreg:$0x1];
	p0 =	sne.s32 s2, $0x0  }
0x97: {  	s3 =	rddreg [dreg:$0x2];
	[bflag:$0x3] =	sbarrier.arrive $0xFFFF;
	s2 =	simm.s32 @!p0 $0x1C03  }
0x98: {  	[timem:s3], [sflag:s2] =	dma.local @!p0 [hbm:s0], s1  }
0x99: {  	s0 =	simm.s32 @!p0 $0x3  }
0x9a: {  	_ =	swait.ge @!p0 [sflag:s0], s1  }
0x9b: {  	s1 =	ssub.s32 @!p0 $0x0, s1;
	[sflag:s0] =	ssyncset.done @!p0 $0x0  }
0x9c: {  	[sflag:s0] =	ssyncadd.s32 @!p0 s1  }
0x9d: {  	[bflag:$0x3] =	sbarrier.arrive $0xFFFF  }
0x9e: {  	_ =	shalt  }

// kernel: kernel.9.cloned.1.call-start
scs
__scs_entry_jumppad:
0x0: {  	(pc) =	sbr.rel $0x88, $3  }
0x1: {  	(tag) =	ssettag $0x0;
	lr =	simm.s32 $0x1  }
0x2: {  	[smem:$0x3F98] =	sst lr;
	_ =	strace $0xD0000000  }
0x3: {  	_ = 	snop  }
0x4: {  	_ = 	snop  }
0x5: {  	_ = 	snop  }
0x6: {  	_ = 	snop  }
0x7: {  	_ = 	snop  }
__scs_overlays_trampoline_lowered:
0x8: {  	[smem:$0x3FA7] =	sst s0  }
0x9: {  	[smem:$0x3FA8] =	sst s1  }
0xa: {  	[smem:$0x3FA9] =	sst s2  }
0xb: {  	[smem:$0x3FAA] =	sst s3  }
0xc: {  	[smem:$0x3FAB] =	sst s4  }
0xd: {  	[smem:$0x3FAC] =	sst s5  }
0xe: {  	[smem:$0x3FAD] =	sst s6  }
0xf: {  	[smem:$0x3FAE] =	sst s7  }
0x10: {  	[smem:$0x3FAF] =	sst s8  }
0x11: {  	[smem:$0x3FB0] =	sst s9;
	s0 =	simm.s32 @!p0 $0x0  }
0x12: {  	s1 =	sld [smem:$0x3F96];
	s0 =	simm.s32 @p0 $0x1  }
0x13: {  	[smem:$0x3FB1] =	sst s0;
	s0 =	simm.s32 @!p1 $0x0  }
0x14: {  	s2 =	sld [smem:$0x3F95];
	s0 =	simm.s32 @p1 $0x1  }
0x15: {  	[smem:$0x3FB2] =	sst s0;
	s0 =	simm.s32 @!p2 $0x0  }
0x16: {  	s3 =	sld [smem:$0x3FDB];
	s0 =	simm.s32 @p2 $0x1  }
0x17: {  	s4 =	simm.s32 $0x1BF5;
	[smem:$0x3FB4] =	sst s0  }
0x18: {  	s0 =	sld [smem:$0x3F97];
	_ =	swait.ge [sflag:s4], $0x0  }
0x19: {  	s7 =	sld [smem:$0x3F98]  }
0x1a: {  	s8 =	sadd.s32 $0xFFFFE003, lr  }
0x1b: {  	s9 =	sadd.s32 $0xFFFFFEF7, lr;
	s5 =	simm.s32 $0xFFFFFFFF;
	p2 =	slt.u32 s8, $0xFFFFF086  }
0x1c: {  	p1 =	slt.u32 s9, $0xF7A;
	s5 =	simm.s32 @!p2 $0x0  }
0x1d: {  	s5 =	simm.s32 @p1 $0x1;
	p0 =	seq.s32 s7, s2  }
0x1e: {  	s7 =	smul.u32 @!p0 $0xF7A, s2;
	p2 =	seq.s32 @!p0 s5, $0x0  }
0x1f: {  	s9 =	smul.u32 $0xF7A, s1;
	s8 =	simm.s32 @!p0 $0x1BF5;
	p2 =	por !p2, p0  }
0x20: {  	[sflag:s8] =	ssyncset.s32 @!p0 $0xFFFFF086;
	s6 =	sadd.s32 @!p0 s3, s7;
	s7 =	simm.s32 @!p0 $0x108  }
0x21: {  	s3 =	sadd.s32 s3, s9;
	s6 =	sadd.s32 @!p0 $0x88, s6;
	s7 =	simm.s32 @p2 $0x1082  }
0x22: {  	[simem:s7], [sflag:s8] =	dma.local @!p0 [hbm:s6], $0xF7A  }
0x23: {  	s9 =	sor.u32 $0xD0000000, s2;
	s6 =	simm.s32 $0x108;
	_ =	swait.ge @!p0 [sflag:s8], $0x0  }
0x24: {  	s3 =	sadd.s32 $0x88, s3;
	s6 =	simm.s32 @!p1 $0x1082;
	[sflag:s4] =	ssyncset.s32 $0xFFFFF086  }
0x25: {  	[simem:s6], [sflag:s4] =	dma.local [hbm:s3], $0xF7A  }
0x26: {  	[smem:$0x3F98] =	sst s1;
	(tag) =	ssettag s2;
	_ =	strace s9  }
0x27: {  	s1 =	sld [smem:$0x3FA8]  }
0x28: {  	s2 =	sld [smem:$0x3FA9]  }
0x29: {  	s4 =	sld [smem:$0x3FAB]  }
0x2a: {  	p0 =	seq.s32 s5, $0x0;
	s5 =	sld [smem:$0x3FAC]  }
0x2b: {  	s6 =	sld [smem:$0x3FAD]  }
0x2c: {  	s7 =	sld [smem:$0x3FAE]  }
0x2d: {  	s3 =	simm.s32 $0x108;
	s8 =	sld [smem:$0x3FAF]  }
0x2e: {  	s3 =	simm.s32 @!p0 $0x1082;
	s9 =	sld [smem:$0x3FB0]  }
0x2f: {  	lr =	sadd.s32 s0, s3;
	s0 =	sld [smem:$0x3FA7]  }
0x30: {  	s3 =	sld [smem:$0x3FAA]  }
0x31: {  	[smem:$0x3FB3] =	sst s10  }
0x32: {  	s10 =	sld [smem:$0x3FB1];
	_ =	sdelay $0x3  }
0x33: {  	p0 =	seq.s32 s10, $0x1;
	s10 =	sld [smem:$0x3FB3];
	_ =	sdelay $0x3  }
0x34: {  	[smem:$0x3FB3] =	sst s10  }
0x35: {  	s10 =	sld [smem:$0x3FB2];
	_ =	sdelay $0x3  }
0x36: {  	p1 =	seq.s32 s10, $0x1;
	s10 =	sld [smem:$0x3FB3];
	_ =	sdelay $0x3  }
0x37: {  	[smem:$0x3FB3] =	sst s10  }
0x38: {  	s10 =	sld [smem:$0x3FB4]  }
0x39: {  	_ = 	snop;
	(pc) =	sbr.ind lr, $3  }
0x3a: {  	_ = 	snop  }
0x3b: {  	_ = 	snop  }
0x3c: {  	p2 =	seq.s32 s10, $0x1;
	s10 =	sld [smem:$0x3FB3]  }
0x3d: {  	_ =	shalt  }
0x3e: {  	_ =	shalt  }
0x3f: {  	_ =	shalt  }
0x40: {  	_ =	shalt  }
0x41: {  	_ =	shalt  }
0x42: {  	_ =	shalt  }
0x43: {  	_ =	shalt  }
0x44: {  	_ =	shalt  }
0x45: {  	_ =	shalt  }
0x46: {  	_ =	shalt  }
0x47: {  	_ =	shalt  }
0x48: {  	_ =	shalt  }
0x49: {  	_ =	shalt  }
0x4a: {  	_ =	shalt  }
0x4b: {  	_ =	shalt  }
0x4c: {  	_ =	shalt  }
0x4d: {  	_ =	shalt  }
0x4e: {  	_ =	shalt  }
0x4f: {  	_ =	shalt  }
0x50: {  	_ =	shalt  }
0x51: {  	_ =	shalt  }
0x52: {  	_ =	shalt  }
0x53: {  	_ =	shalt  }
0x54: {  	_ =	shalt  }
0x55: {  	_ =	shalt  }
0x56: {  	_ =	shalt  }
0x57: {  	_ =	shalt  }
0x58: {  	_ =	shalt  }
0x59: {  	_ =	shalt  }
0x5a: {  	_ =	shalt  }
0x5b: {  	_ =	shalt  }
0x5c: {  	_ =	shalt  }
0x5d: {  	_ =	shalt  }
0x5e: {  	_ =	shalt  }
0x5f: {  	_ =	shalt  }
0x60: {  	_ =	shalt  }
0x61: {  	_ =	shalt  }
0x62: {  	_ =	shalt  }
0x63: {  	_ =	shalt  }
0x64: {  	_ =	shalt  }
0x65: {  	_ =	shalt  }
0x66: {  	_ =	shalt  }
0x67: {  	_ =	shalt  }
0x68: {  	_ =	shalt  }
0x69: {  	_ =	shalt  }
0x6a: {  	_ =	shalt  }
0x6b: {  	_ =	shalt  }
0x6c: {  	_ =	shalt  }
0x6d: {  	_ =	shalt  }
0x6e: {  	_ =	shalt  }
0x6f: {  	_ =	shalt  }
0x70: {  	_ =	shalt  }
0x71: {  	_ =	shalt  }
0x72: {  	_ =	shalt  }
0x73: {  	_ =	shalt  }
0x74: {  	_ =	shalt  }
0x75: {  	_ =	shalt  }
0x76: {  	_ =	shalt  }
0x77: {  	_ =	shalt  }
0x78: {  	_ =	shalt  }
0x79: {  	_ =	shalt  }
0x7a: {  	_ =	shalt  }
0x7b: {  	_ =	shalt  }
0x7c: {  	_ =	shalt  }
0x7d: {  	_ =	shalt  }
0x7e: {  	_ =	shalt  }
0x7f: {  	_ =	shalt  }
0x80: {  	_ =	shalt  }
0x81: {  	_ =	shalt  }
0x82: {  	_ =	shalt  }
0x83: {  	_ =	shalt  }
0x84: {  	_ =	shalt  }
0x85: {  	_ =	shalt  }
0x86: {  	_ =	shalt  }
0x87: {  	_ =	shalt  }
.Lfunc_end0:
.L_simem_size_0:
called_computation.1_lowered:
.L_overlay_start_0:
0x88: {  	s2 =	sld [smem:$0x3FD9]  }
0x89: {  	s3 =	sld [smem:$0x3FFE];
	_ =	sdelay $0x1  }
0x8a: {  	s1 =	srdreg.scid  }
0x8b: {  	s0 =	sand.u32 $0x1, s1  }
0x8c: {  	s17 =	sshll.u32 s0, $0xA;
	s2 =	sadd.s32 s3, s2  }
0x8d: {  	s2 =	sadd.s32 s2, s17  }
0x8e: {  	[smem:$0x3FBF] =	sst s2  }
0x8f: {  	_ = 	snop  }
0x90: {  	s2 =	sld [smem:$0x3FD0];
	(tm) =	ssettm $0x1  }
0x91: {  	s18 =	sld [smem:$0x3FFB];
	_ =	sdelay $0x3  }
0x92: {  	_ =	strace s18  }
0x93: {  	s3 =	sld [smem:$0x3FFC];
	_ =	sdelay $0x3  }
0x94: {  	_ =	strace s3  }
0x95: {  	s3 =	sld [smem:$0x3FFD];
	_ =	sdelay $0x3  }
0x96: {  	_ =	strace s3  }
0x97: {  	_ =	strace $0x8FFFFFFF  }
0x98: {  	s19 =	sld [smem:$0x3FDB];
	_ =	sdelay $0x1  }
0x99: {  	s4 =	simm.s32 $_scs_section_size  }
0x9a: {  	s5 =	simm.s32 $_size__tile_overlayer_lowered;
	s6 =	simm.s32 $_tile_overlayer_lowered  }
0x9b: {  	s22 =	simm.s32 $0x1BFF;
	s21 =	sshll.u32 s6, $0x1;
	s3 =	sadd.s32 s4, s19  }
0x9c: {  	s7 =	simm.s32 $0x0;
	s20 =	sshll.u32 s5, $0x1;
	s5 =	sadd.s32 s21, s3  }
0x9d: {  	[timem:s7], [sflag:s22] =	dma.local [hbm:s5], s20  }
0x9e: {  	_ =	swait.ge [sflag:s22], s20  }
0x9f: {  	s4 =	ssub.s32 $0x0, s20;
	[sflag:s22] =	ssyncset.done $0x0  }
0xa0: {  	[sflag:s22] =	ssyncadd.s32 s4;
	_ =	sdelay $0x1  }
0xa1: {  	s23 =	simm.s32 $0x1B8B  }
0xa2: {  	_ =	swait.ge [sflag:s23], $0x1  }
0xa3: {  	[sflag:s23] =	ssyncset.done $0x0  }
0xa4: {  	s25 =	simm.s32 $0x1B8E;
	s24 =	sld [smem:$0x3FFE];
	[sflag:s23] =	ssyncadd.s32 $0xFFFFFFFF  }
0xa5: {  	s26 =	simm.s32 $execute0_lowered;
	[smem:$0x3FD2] =	sst s25  }
0xa6: {  	s5 =	sshll.u32 s26, $0x1;
	_ =	strace $0x80000049;
	[dreg:$0x1] =	wrdreg $0xFFFFFFFF  }
0xa7: {  	s28 =	simm.s32 $_size_execute0_lowered;
	s3 =	sadd.s32 s3, s5;
	[dreg:$0x0] =	wrdreg $0x0  }
0xa8: {  	s5 =	sshll.u32 s28, $0x1;
	[dreg:$0x2] =	wrdreg s3  }
0xa9: {  	[dreg:$0x3] =	wrdreg s5  }
0xaa: {  	[dreg:$0x4] =	wrdreg $0xC0  }
0xab: {  	_ =	task [dreg:s7], $0x5FFFF  }
0xac: {  	[dreg:$0x1] =	wrdreg $0xFFFFFFFF  }
0xad: {  	[dreg:$0x0] =	wrdreg $0x60  }
0xae: {  	[dreg:$0x2] =	wrdreg s2  }
0xaf: {  	[dreg:$0x3] =	wrdreg s24  }
0xb0: {  	[dreg:$0x4] =	wrdreg $0x9  }
0xb1: {  	_ =	task.clear_ibuf [dreg:s7], $0x5FFFF;
	_ =	strace $0x90000049  }
0xb2: {  	s29 =	simm.s32 $0x9;
	_ =	strace $0x8000004B  }
0xb3: {  	_ =	swait.ge [sflag:s29], $0x1  }
0xb4: {  	[sflag:s29] =	ssyncadd.s32 $0xFFFFFFFF  }
0xb5: {  	_ =	strace $0x9000004B  }
0xb6: {  	_ =	sfence  }
0xb7: {  	s30 =	sld [smem:$0x0];
	_ =	sdelay $0x2  }
0xb8: {  	s31 =	sshll.u32 s1, $0xD;
	s1 =	sshrl.u32 s1, $0x2  }
0xb9: {  	s3 =	sand.u32 $0x4000, s31;
	s1 =	sadd.s32 s1, s30  }
0xba: {  	s0 =	sor.u32 s3, s0;
	s1 =	sshll.u32 s1, $0x11  }
0xbb: {  	s0 =	sor.u32 s1, s0  }
0xbc: {  	s0 =	sadd.s32 $0x8F2B, s0  }
0xbd: {  	[sflag:s0] =	ssyncadd.remote.s32 $0x1  }
0xbe: {  	_ =	sfence.sel $0xFFFF  }
0xbf: {  	[dreg:$0x0] =	wrdreg $0xFFFFFFFF;
	(pc) =	sbr.abs _section_cstart, $3  }
0xc0: {  	[dreg:$0x1] =	wrdreg $0xFFFFFFFF  }
0xc1: {  	_ =	task.clear_ibuf [dreg:s7], $0x2FFFF;
	_ =	strace $0x9FFFFFFF  }
0xc2: {  	(tm) =	ssettm $0x7FFFFFFF  }
0xc3: {  	_ =	shalt  }
tec
execute0_lowered:
.L_overlay_start_1:
0x0: {  	(tag) =	ssettag $0x1  }
0x1: {  	s6 =	rddreg [dreg:$0x0];
	s1 =	srdreg.scid  }
0x2: {  	s0 =	stileid.u32;
	s3 =	rddreg [dreg:$0x1]  }
0x3: {  	s2 =	simm.s32 $0x0;
	s10 =	simm.s32 $0x1;
	s11 =	simm.s32 $0x0  }
0x4: {  	s4 =	sand.u32 $0x1, s1;
	s5 =	sshll.u32 s0, $0x1;
	s1 =	rddreg [dreg:$0x2]  }
0x5: {  	[smem:$0x7FF] =	sst s2;
	s9 =	smul.u32 $0x9000, s0;
	s5 =	sor.u32 s4, s5  }
0x6: {  	_ =	strace $0x8000004A;
	s7 =	ssub.s32 $0x2, s4;
	s31 =	smul.u32 $0x4800, s4  }
0x7: {  	s5 =	smul.u32 $0x240, s5;
	s8 =	sshrl.u32 s7, $0x1;
	s6 =	sadd.s32 s9, s6  }
0x8: {  	s9 =	simm.s32 $0x80;
	s7 =	ssub.s32 s7, s8;
	s6 =	sadd.s32 s31, s6  }
0x9: {  	s8 =	simm.s32 $0x1200;
	s5 =	sadd.s32 s5, s3;
	s3 =	sadd.s32 $0xBC00, s3  }
0xa: {  	s4 =	sadd.s32 $0x7400, s5;
	s5 =	smax.u32 s7, $0x1;
	s7 =	simm.s32 $0x2  }
.LBB2_1:
0xb: {  	[tilespmem:s2], [sflag:$0x2] =	stream.linear.gather [hbm4b:s4+s2], $0x1200, $0x38;
	[tilespmem:$0x2200] =	vst v63  }
0xc: {  	_ =	swait.ge [sflag:s7], $0x1200  }
0xd: {  	[sflag:s7] =	ssyncset.done $0x0  }
0xe: {  	s12 =	sadd.s32 $0x0, s6;
	[sflag:s7] =	ssyncadd.s32 $0xFFFFEE00  }
0xf: {  	[tilespmem:s8], [sflag:$0x2] =	stream.linear.gather [hbm4b:s12+s2], $0x1000, $0x38;
	[tilespmem:$0x2200] =	vst v63  }
0x10: {  	_ =	swait.ge [sflag:s7], $0x1000  }
0x11: {  	[sflag:s7] =	ssyncset.done $0x0  }
0x12: {  	s31 =	simm.s32 $0x0;
	[sflag:s7] =	ssyncadd.s32 $0xFFFFF000  }
0x13: {  	[hbm4b:s3+s9] =	stream.indirect.scatter [tilespmem:s8], [sflag:$0x1], $0x20, s31, s9, $0xb8;
	[tilespmem:$0x2200] =	vst v63  }
0x14: {  	_ =	swait.ge [sflag:s10], $0x1000  }
0x15: {  	s13 =	simm.s32 $0x400;
	s12 =	simm.s32 $0x200;
	[sflag:s10] =	ssyncset.done $0x0  }
.LBB2_2:
0x16: {  	s14 =	sadd.s32 s12, s6  }
0x17: {  	[sflag:s10] =	ssyncadd.s32 $0xFFFFF000;
	s15 =	smov.u32 s13;
	s16 =	sadd.s32 $0x200, s13  }
0x18: {  	[tilespmem:s8], [sflag:$0x2] =	stream.linear.gather [hbm4b:s14+s2], $0x1000, $0x38;
	[tilespmem:$0x2200] =	vst v63  }
0x19: {  	p0 =	sne.s32 s13, $0x4600;
	_ =	swait.ge [sflag:s7], $0x1000  }
.Ltmp0:
0x1a: {  	[sflag:s7] =	ssyncset.done $0x0;
	(pc) =	sbr.rel @p0 .LBB2_2-.Ltmp0, $4  }
0x1b: {  	s13 =	sshra.s32 s12, $0x2;
	s12 =	smov.u32 s15;
	[sflag:s7] =	ssyncadd.s32 $0xFFFFF000  }
0x1c: {  	[hbm4b:s3+s9] =	stream.indirect.scatter [tilespmem:s8], [sflag:$0x1], $0x20, s13, s9, $0xb8;
	[tilespmem:$0x2200] =	vst v63  }
0x1d: {  	_ =	swait.ge [sflag:s10], $0x1000  }
0x1e: {  	s13 =	smov.u32 s16;
	[sflag:s10] =	ssyncset.done $0x0  }
0x1f: {  	s13 =	sadd.s32 s12, s6;
	[sflag:s10] =	ssyncadd.s32 $0xFFFFF000  }
0x20: {  	[tilespmem:s8], [sflag:$0x2] =	stream.linear.gather [hbm4b:s13+s2], $0x1000, $0x38;
	[tilespmem:$0x2200] =	vst v63  }
0x21: {  	s11 =	sadd.s32 $0x1, s11;
	_ =	swait.ge [sflag:s7], $0x1000  }
0x22: {  	p0 =	sne.s32 s11, s5;
	[sflag:s7] =	ssyncset.done $0x0  }
.Ltmp1:
0x23: {  	s31 =	sshra.s32 s12, $0x2;
	[sflag:s7] =	ssyncadd.s32 $0xFFFFF000;
	(pc) =	sbr.rel @p0 .LBB2_1-.Ltmp1, $4  }
0x24: {  	[hbm4b:s3+s9] =	stream.indirect.scatter [tilespmem:s8], [sflag:$0x1], $0x20, s31, s9, $0xb8;
	[tilespmem:$0x2200] =	vst v63  }
0x25: {  	_ =	swait.ge [sflag:s10], $0x1000  }
0x26: {  	[sflag:s10] =	ssyncset.done $0x0  }
0x27: {  	[sflag:s10] =	ssyncadd.s32 $0xFFFFF000  }
0x28: {  	_ =	sfence.sel $0x180000  }
0x29: {  	[bflag:$0x0] =	sbarrier.arrive $0xFFFF  }
0x2a: {  	p0 =	sne.s32 s0, $0x0;
	_ =	strace $0x9000004A  }
0x2b: {  	s0 =	sadd.s32 @!p0 $0x100000, s1;
	[bflag:$0x2] =	sbarrier.arrive $0xFFFF  }
0x2c: {  	[sflag:s0] =	ssyncadd.tile.s32 @!p0 $0x1;
	_ =	shalt  }
.Lfunc_end2:
_tile_overlayer_lowered:
.L_overlay_start_2:
0x2d: {  	(tag) =	ssettag $0x2  }
0x2e: {  	s0 =	rddreg [dreg:$0x0];
	s2 =	stileid.u32  }
0x2f: {  	s1 =	rddreg [dreg:$0x1];
	p0 =	sne.s32 s2, $0x0  }
0x30: {  	s3 =	rddreg [dreg:$0x2];
	[bflag:$0x3] =	sbarrier.arrive $0xFFFF;
	s2 =	simm.s32 @!p0 $0x1C02  }
0x31: {  	[timem:s3], [sflag:s2] =	dma.local @!p0 [hbm:s0], s1  }
0x32: {  	s0 =	simm.s32 @!p0 $0x2  }
0x33: {  	_ =	swait.ge @!p0 [sflag:s0], s1  }
0x34: {  	s1 =	ssub.s32 @!p0 $0x0, s1;
	[sflag:s0] =	ssyncset.done @!p0 $0x0  }
0x35: {  	[sflag:s0] =	ssyncadd.s32 @!p0 s1  }
0x36: {  	[bflag:$0x3] =	sbarrier.arrive $0xFFFF  }
0x37: {  	_ =	shalt  }

</sc_bundles>
